<compile_context>
chip_gen: v7x
topology: tpu7x:2x2x1
jax: 0.10.2.dev20260603
libtpu: 0.0.44.dev20260713+nightly
codegen_flags: <defaults>
</compile_context>

<pallas_src>
import jax
import jax.numpy as jnp
from jax import lax
from jax.experimental import pallas as pl
from jax.experimental.pallas import tpu as pltpu
from jax.experimental.pallas import tpu_sc as plsc

L = 64
M = 64
BATCH = 4096
NUP = 33
TROWS = 2 * L * NUP * NUP
S_STRIDE = L * NUP * NUP
I_STRIDE = NUP * NUP + 1
NU_STRIDE = NUP - 1

_NC, _NS = 2, 16
NW = _NC * _NS
SPW = BATCH // NW
GRP = SPW // 16
PAIRW = 2 * L
NPAIR = SPW // 2


def _sc_body(table_hbm, inputs_hbm, out_hbm, in_v, idx_v, rows0, rows1,
             tmp_v, out_v, sem0, sem1):
    sub = lax.axis_index("s")
    core = lax.axis_index("c")
    wid = sub * _NC + core
    iota = lax.iota(jnp.int32, 16)

    pltpu.sync_copy(inputs_hbm.at[pl.ds(wid * SPW, SPW)], in_v)

    def bidx(t, _):
        carry = jnp.float32(0)
        for k in range(4):
            sv = in_v[t, pl.ds(16 * k, 16)]
            sf = sv.astype(jnp.float32)
            incl = jnp.cumsum(sf)
            nu = (incl - sf + carry).astype(jnp.int32)
            carry = carry + jnp.sum(sf)
            idx_v[pl.ds(t * L + 16 * k, 16)] = (
                sv * S_STRIDE + (iota + 16 * k) * I_STRIDE + nu * NU_STRIDE)
        return 0

    lax.fori_loop(0, SPW, bidx, 0)

    def product(rows_v, off):
        def prod(j, accs):
            accs = list(accs)
            for r in range(8):
                row = off + 8 * j + r
                c = (r % 2) * 4
                for k in range(4):
                    accs[c + k] = accs[c + k] * rows_v[row, pl.ds(16 * k, 16)]
            return tuple(accs)

        ones = jnp.ones((16,), jnp.float32)
        accs = lax.fori_loop(0, L // 8, prod, (ones,) * 8)
        return (accs[0] * accs[4] + accs[1] * accs[5]
                + accs[2] * accs[6] + accs[3] * accs[7])

    def gather_pair(p, dst, sem):
        return pltpu.async_copy(
            table_hbm.at[idx_v.at[pl.ds(p * PAIRW, PAIRW)]], dst, sem)

    def wait_pair(p, dst, sem):
        pltpu.make_async_copy(
            table_hbm.at[idx_v.at[pl.ds(p * PAIRW, PAIRW)]], dst, sem).wait()

    gather_pair(0, rows0, sem0)

    def group(g, _):
        def quad(qq, _):
            p0 = g * 8 + 2 * qq
            s0 = 4 * qq
            gather_pair(p0 + 1, rows1, sem1)
            wait_pair(p0, rows0, sem0)
            tot_a = product(rows0, 0)
            tot_b = product(rows0, L)

            @pl.when(p0 < NPAIR - 2)
            def _():
                gather_pair(p0 + 2, rows0, sem0)

            wait_pair(p0 + 1, rows1, sem1)
            tot_c = product(rows1, 0)
            tot_d = product(rows1, L)
            tmp_v[pl.ds(s0 * 16, 16)] = tot_a
            tmp_v[pl.ds((s0 + 1) * 16, 16)] = tot_b
            tmp_v[pl.ds((s0 + 2) * 16, 16)] = tot_c
            tmp_v[pl.ds((s0 + 3) * 16, 16)] = tot_d
            return 0

        lax.fori_loop(0, 4, quad, 0)
        acc = jnp.zeros((16,), jnp.float32)
        for j in range(16):
            acc = acc + plsc.load_gather(tmp_v, [iota * 16 + j])
        out_v[pl.ds(g * 16, 16)] = acc
        return 0

    lax.fori_loop(0, GRP, group, 0)
    pltpu.sync_copy(out_v, out_hbm.at[pl.ds(wid * SPW, SPW)])


@jax.jit
def _seg_gps(epsilon, inputs_i32):
    table = lax.reshape(epsilon, (TROWS, M), dimensions=(0, 2, 3, 4, 1))

    mesh = plsc.VectorSubcoreMesh(core_axis_name="c", subcore_axis_name="s")
    return pl.kernel(
        _sc_body,
        mesh=mesh,
        compiler_params=pltpu.CompilerParams(
            needs_layout_passes=False, use_tc_tiling_on_sc=False),
        out_type=jax.ShapeDtypeStruct((BATCH,), jnp.float32),
        scratch_types=[
            pltpu.VMEM((SPW, L), jnp.int32),
            pltpu.VMEM((SPW * L,), jnp.int32),
            pltpu.VMEM((PAIRW, M), jnp.float32),
            pltpu.VMEM((PAIRW, M), jnp.float32),
            pltpu.VMEM((256,), jnp.float32),
            pltpu.VMEM((SPW,), jnp.float32),
            pltpu.SemaphoreType.DMA,
            pltpu.SemaphoreType.DMA,
        ],
    )(table, inputs_i32)


def kernel(inputs, epsilon):
    return _seg_gps(epsilon, inputs.astype(jnp.int32))

# --- scband reference (transcript-rebuilt; emitter-appended) ---
"""Pipeline reference for scband-seg-gps-90263032693383 (READ-ONLY COPY).

The authoritative reference and input builder live on the scoring server;
editing this copy changes nothing except your own understanding.
"""

import jax, jax.numpy as jnp
import numpy as np

L = 64
M = 64
BATCH = 4096
LOCAL_DIM = 2
MAX_UP = L // 2  # Spin-1/2, total_sz = 0
MAX_DN = L // 2


def count_spins(indices):
    # number of up-/down-spins seen before each site (exclusive cumulative count)
    n_up = jnp.cumsum((indices[:, :-1] + 1 & 2) // 2, axis=-1)
    n_dn = jnp.cumsum(indices[:, :-1] + 1 & 1, axis=-1)
    counts = jnp.stack([n_up, n_dn], axis=1)
    counts = jnp.pad(counts, ((0, 0), (0, 0), (1, 0)), mode='constant')
    return counts


def setup_inputs(seed: int = 0) -> dict:
    key = jax.random.key(seed)
    k1, k2 = jax.random.split(key)
    # balanced configurations (exactly L/2 up-spins per sample) to honor the
    # total_sz=0 constraint so cumulative counts stay within [0, MAX_UP]
    base = jnp.concatenate([
        jnp.zeros((BATCH, L // 2), dtype=jnp.int32),
        jnp.ones((BATCH, L // 2), dtype=jnp.int32)], axis=1)
    order = jnp.argsort(jax.random.uniform(k1, (BATCH, L)), axis=1)
    inputs = jnp.take_along_axis(base, order, axis=1)
    # learned tensor 'epsilon' of shape (local_dim, M, L, max_up+1, max_dn+1);
    # initialized near 1 so the length-L site product is numerically stable
    epsilon = 1.0 + 0.02 * jax.random.normal(
        k2, (LOCAL_DIM, M, L, MAX_UP + 1, MAX_DN + 1), dtype=jnp.float32)
    return {"inputs": inputs, "epsilon": epsilon}


def reference(inputs, epsilon):
    # states_to_local_indices: inputs are already local indices in {0,1}
    indices = inputs.astype(jnp.int32)
    counts = count_spins(indices)  # (B, 2, L)
    site_idx = jnp.arange(L)

    def evaluate_site_product(sample, count):
        # equivalent to the three chained take_along_axis gathers in the
        # original: pick epsilon[sample_i, :, i, n_up_i, n_dn_i] for each site i
        values = epsilon[sample, :, site_idx, count[0], count[1]]  # (L, M)
        site_product = jnp.prod(values, axis=0)  # (M,)
        return jnp.reshape(site_product, -1)

    site_products = jax.vmap(evaluate_site_product)(indices, counts)  # (B, M)
    log_psi = jnp.sum(site_products, axis=-1)  # (B,)
    return log_psi

if __name__ == "__main__":
    import jax
    _d = setup_inputs()
    print(jax.jit(kernel)(*tuple(_d.values())))

</pallas_src>

<mosaic_0001>
#map = affine_map<(d0, d1) -> (0, 0)>
#map1 = affine_map<(d0, d1) -> (0)>
module attributes {stable_mosaic.version = 14 : i64} {
  func.func @_sc_body(%arg0: i32, %arg1: i32, %arg2: memref<139392x64xf32, #tpu.memory_space<hbm>>, %arg3: memref<4096x64xi32, #tpu.memory_space<hbm>>, %arg4: memref<4096xf32, #tpu.memory_space<hbm>>, %arg5: memref<128x64xi32, #tpu.memory_space<vmem>>, %arg6: memref<8192xi32, #tpu.memory_space<vmem>>, %arg7: memref<128x64xf32, #tpu.memory_space<vmem>>, %arg8: memref<128x64xf32, #tpu.memory_space<vmem>>, %arg9: memref<256xf32, #tpu.memory_space<vmem>>, %arg10: memref<128xf32, #tpu.memory_space<vmem>>, %arg11: memref<!tpu.dma_semaphore, #tpu.memory_space<semaphore_mem>>, %arg12: memref<!tpu.dma_semaphore, #tpu.memory_space<semaphore_mem>>) attributes {dimension_semantics = [#tpu.dimension_semantics<core_parallel>, #tpu.dimension_semantics<subcore_parallel>], iteration_bounds = array<i64: 2, 16>, scalar_prefetch = 0 : i64, scratch_operands = 8 : i64, tpu.core_type = #tpu.core_type<sc_vector_subcore>, window_params = [{transform_indices = #map}, {transform_indices = #map}, {transform_indices = #map1}]} {
    %mul3A = arith.constant 2 : i32
    %mul3A_0 = arith.muli %arg1, %mul3A : i32
    %add3A = arith.addi %mul3A_0, %arg0 : i32
    %iota3A = tpu.iota {dimensions = array<i32: 0>} : vector<16xi32>
    %mul3A_1 = arith.constant 128 : i32
    %mul3A_2 = arith.muli %add3A, %mul3A_1 : i32
    "tpu.region"() ({
      %run_scoped3A = tpu.sem_alloc : memref<!tpu.dma_semaphore, #tpu.memory_space<semaphore_mem>>
      %dma_start3A_22 = arith.constant 0 : i32
      %dma_start3A_23 = tpu.memref_slice %arg3[%mul3A_2, %dma_start3A_22] : memref<4096x64xi32, #tpu.memory_space<hbm>> -> memref<128x64xi32, #tpu.memory_space<hbm>>
      %dma_start3A_24 = arith.constant 0 : i32
      %dma_start3A_25 = tpu.memref_slice %arg3[%mul3A_2, %dma_start3A_24] : memref<4096x64xi32, #tpu.memory_space<hbm>> -> memref<128x64xi32, #tpu.memory_space<hbm>>
      tpu.enqueue_dma source(%dma_start3A_25 : memref<128x64xi32, #tpu.memory_space<hbm>>) target(%arg5 : memref<128x64xi32, #tpu.memory_space<vmem>>) target_semaphore(%run_scoped3A : memref<!tpu.dma_semaphore, #tpu.memory_space<semaphore_mem>>)
      %dma_wait3A = arith.constant 0 : i32
      %dma_wait3A_26 = tpu.memref_slice %arg3[%mul3A_2, %dma_wait3A] : memref<4096x64xi32, #tpu.memory_space<hbm>> -> memref<128x64xi32, #tpu.memory_space<hbm>>
      %dma_wait3A_27 = arith.constant 0 : i32
      %dma_wait3A_28 = tpu.memref_slice %arg3[%mul3A_2, %dma_wait3A_27] : memref<4096x64xi32, #tpu.memory_space<hbm>> -> memref<128x64xi32, #tpu.memory_space<hbm>>
      tpu.wait_dma2 semaphore(%run_scoped3A : memref<!tpu.dma_semaphore, #tpu.memory_space<semaphore_mem>>) src(%dma_wait3A_28 : memref<128x64xi32, #tpu.memory_space<hbm>>) dst(%arg5 : memref<128x64xi32, #tpu.memory_space<vmem>>)
      tpu.yield
    }) : () -> ()
    %scan3A = arith.constant 0 : i32
    %scan3A_3 = arith.constant 0 : i32
    %scan3A_4 = arith.constant 128 : i32
    %scan3A_5 = arith.addi %scan3A_3, %scan3A_4 : i32
    %scan3A_6 = arith.constant 1 : i32
    %scan3A_7 = scf.for %scan3A_22 = %scan3A_3 to %scan3A_5 step %scan3A_6 iter_args(%scan3A_23 = %scan3A) -> (i32)  : i32 {
      %get3A = arith.index_cast %scan3A_22 : i32 to index
      %get3A_24 = arith.constant 0 : index
      %get3A_25 = tpu.vector_load %arg5[%get3A, %get3A_24] {strides = array<i32>} : memref<128x64xi32, #tpu.memory_space<vmem>>, vector<16xi32>,
      %convert_element_type3A = arith.sitofp %get3A_25 : vector<16xi32> to vector<16xf32>
      %cumsum3A = arith.constant true
      %cumsum3A_26 = vector.broadcast %cumsum3A : i1 to vector<16xi1>
      %cumsum3A_27 = tpu.scan <sum>, %convert_element_type3A masked %cumsum3A_26 : vector<16xf32>, vector<16xi1> -> vector<16xf32>
      %sub3A = arith.subf %cumsum3A_27, %convert_element_type3A : vector<16xf32>
      %add3A_28 = arith.constant 0.000000e+00 : f32
      %add3A_29 = vector.broadcast %add3A_28 : f32 to vector<16xf32>
      %add3A_30 = arith.addf %sub3A, %add3A_29 : vector<16xf32>
      %convert_element_type3A_31 = arith.fptosi %add3A_30 : vector<16xf32> to vector<16xi32>
      %reduce_sum3A = arith.constant true
      %reduce_sum3A_32 = vector.broadcast %reduce_sum3A : i1 to vector<16xi1>
      %reduce_sum3A_33 = tpu.scan <sum>, %convert_element_type3A masked %reduce_sum3A_32 : vector<16xf32>, vector<16xi1> -> vector<16xf32>
      %reduce_sum3A_34 = vector.extract %reduce_sum3A_33[15] : f32 from vector<16xf32>
      %add3A_35 = arith.constant 0.000000e+00 : f32
      %add3A_36 = arith.addf %add3A_35, %reduce_sum3A_34 : f32
      %mul3A_37 = arith.constant 69696 : i32
      %mul3A_38 = vector.broadcast %mul3A_37 : i32 to vector<16xi32>
      %mul3A_39 = arith.muli %get3A_25, %mul3A_38 : vector<16xi32>
      %add3A_40 = arith.constant 0 : i32
      %add3A_41 = vector.broadcast %add3A_40 : i32 to vector<16xi32>
      %add3A_42 = arith.addi %iota3A, %add3A_41 : vector<16xi32>
      %mul3A_43 = arith.constant 1090 : i32
      %mul3A_44 = vector.broadcast %mul3A_43 : i32 to vector<16xi32>
      %mul3A_45 = arith.muli %add3A_42, %mul3A_44 : vector<16xi32>
      %add3A_46 = arith.addi %mul3A_39, %mul3A_45 : vector<16xi32>
      %mul3A_47 = arith.constant 32 : i32
      %mul3A_48 = vector.broadcast %mul3A_47 : i32 to vector<16xi32>
      %mul3A_49 = arith.muli %convert_element_type3A_31, %mul3A_48 : vector<16xi32>
      %add3A_50 = arith.addi %add3A_46, %mul3A_49 : vector<16xi32>
      %mul3A_51 = arith.constant 64 : i32
      %mul3A_52 = arith.muli %scan3A_22, %mul3A_51 : i32
      %add3A_53 = arith.constant 0 : i32
      %add3A_54 = arith.addi %mul3A_52, %add3A_53 : i32
      %swap3A = arith.index_cast %add3A_54 : i32 to index
      %swap3A_55 = tpu.vector_load %arg6[%swap3A] {strides = array<i32>} : memref<8192xi32, #tpu.memory_space<vmem>>, vector<16xi32>,
      tpu.vector_store %arg6[%swap3A], %add3A_50 {strides = array<i32>} : memref<8192xi32, #tpu.memory_space<vmem>>, vector<16xi32>,
      %get3A_56 = arith.index_cast %scan3A_22 : i32 to index
      %get3A_57 = arith.constant 16 : index
      %get3A_58 = tpu.vector_load %arg5[%get3A_56, %get3A_57] {strides = array<i32>} : memref<128x64xi32, #tpu.memory_space<vmem>>, vector<16xi32>,
      %convert_element_type3A_59 = arith.sitofp %get3A_58 : vector<16xi32> to vector<16xf32>
      %cumsum3A_60 = arith.constant true
      %cumsum3A_61 = vector.broadcast %cumsum3A_60 : i1 to vector<16xi1>
      %cumsum3A_62 = tpu.scan <sum>, %convert_element_type3A_59 masked %cumsum3A_61 : vector<16xf32>, vector<16xi1> -> vector<16xf32>
      %sub3A_63 = arith.subf %cumsum3A_62, %convert_element_type3A_59 : vector<16xf32>
      %add3A_64 = vector.broadcast %add3A_36 : f32 to vector<16xf32>
      %add3A_65 = arith.addf %sub3A_63, %add3A_64 : vector<16xf32>
      %convert_element_type3A_66 = arith.fptosi %add3A_65 : vector<16xf32> to vector<16xi32>
      %reduce_sum3A_67 = arith.constant true
      %reduce_sum3A_68 = vector.broadcast %reduce_sum3A_67 : i1 to vector<16xi1>
      %reduce_sum3A_69 = tpu.scan <sum>, %convert_element_type3A_59 masked %reduce_sum3A_68 : vector<16xf32>, vector<16xi1> -> vector<16xf32>
      %reduce_sum3A_70 = vector.extract %reduce_sum3A_69[15] : f32 from vector<16xf32>
      %add3A_71 = arith.addf %add3A_36, %reduce_sum3A_70 : f32
      %mul3A_72 = arith.constant 69696 : i32
      %mul3A_73 = vector.broadcast %mul3A_72 : i32 to vector<16xi32>
      %mul3A_74 = arith.muli %get3A_58, %mul3A_73 : vector<16xi32>
      %add3A_75 = arith.constant 16 : i32
      %add3A_76 = vector.broadcast %add3A_75 : i32 to vector<16xi32>
      %add3A_77 = arith.addi %iota3A, %add3A_76 : vector<16xi32>
      %mul3A_78 = arith.constant 1090 : i32
      %mul3A_79 = vector.broadcast %mul3A_78 : i32 to vector<16xi32>
      %mul3A_80 = arith.muli %add3A_77, %mul3A_79 : vector<16xi32>
      %add3A_81 = arith.addi %mul3A_74, %mul3A_80 : vector<16xi32>
      %mul3A_82 = arith.constant 32 : i32
      %mul3A_83 = vector.broadcast %mul3A_82 : i32 to vector<16xi32>
      %mul3A_84 = arith.muli %convert_element_type3A_66, %mul3A_83 : vector<16xi32>
      %add3A_85 = arith.addi %add3A_81, %mul3A_84 : vector<16xi32>
      %mul3A_86 = arith.constant 64 : i32
      %mul3A_87 = arith.muli %scan3A_22, %mul3A_86 : i32
      %add3A_88 = arith.constant 16 : i32
      %add3A_89 = arith.addi %mul3A_87, %add3A_88 : i32
      %swap3A_90 = arith.index_cast %add3A_89 : i32 to index
      %swap3A_91 = tpu.vector_load %arg6[%swap3A_90] {strides = array<i32>} : memref<8192xi32, #tpu.memory_space<vmem>>, vector<16xi32>,
      tpu.vector_store %arg6[%swap3A_90], %add3A_85 {strides = array<i32>} : memref<8192xi32, #tpu.memory_space<vmem>>, vector<16xi32>,
      %get3A_92 = arith.index_cast %scan3A_22 : i32 to index
      %get3A_93 = arith.constant 32 : index
      %get3A_94 = tpu.vector_load %arg5[%get3A_92, %get3A_93] {strides = array<i32>} : memref<128x64xi32, #tpu.memory_space<vmem>>, vector<16xi32>,
      %convert_element_type3A_95 = arith.sitofp %get3A_94 : vector<16xi32> to vector<16xf32>
      %cumsum3A_96 = arith.constant true
      %cumsum3A_97 = vector.broadcast %cumsum3A_96 : i1 to vector<16xi1>
      %cumsum3A_98 = tpu.scan <sum>, %convert_element_type3A_95 masked %cumsum3A_97 : vector<16xf32>, vector<16xi1> -> vector<16xf32>
      %sub3A_99 = arith.subf %cumsum3A_98, %convert_element_type3A_95 : vector<16xf32>
      %add3A_100 = vector.broadcast %add3A_71 : f32 to vector<16xf32>
      %add3A_101 = arith.addf %sub3A_99, %add3A_100 : vector<16xf32>
      %convert_element_type3A_102 = arith.fptosi %add3A_101 : vector<16xf32> to vector<16xi32>
      %reduce_sum3A_103 = arith.constant true
      %reduce_sum3A_104 = vector.broadcast %reduce_sum3A_103 : i1 to vector<16xi1>
      %reduce_sum3A_105 = tpu.scan <sum>, %convert_element_type3A_95 masked %reduce_sum3A_104 : vector<16xf32>, vector<16xi1> -> vector<16xf32>
      %reduce_sum3A_106 = vector.extract %reduce_sum3A_105[15] : f32 from vector<16xf32>
      %add3A_107 = arith.addf %add3A_71, %reduce_sum3A_106 : f32
      %mul3A_108 = arith.constant 69696 : i32
      %mul3A_109 = vector.broadcast %mul3A_108 : i32 to vector<16xi32>
      %mul3A_110 = arith.muli %get3A_94, %mul3A_109 : vector<16xi32>
      %add3A_111 = arith.constant 32 : i32
      %add3A_112 = vector.broadcast %add3A_111 : i32 to vector<16xi32>
      %add3A_113 = arith.addi %iota3A, %add3A_112 : vector<16xi32>
      %mul3A_114 = arith.constant 1090 : i32
      %mul3A_115 = vector.broadcast %mul3A_114 : i32 to vector<16xi32>
      %mul3A_116 = arith.muli %add3A_113, %mul3A_115 : vector<16xi32>
      %add3A_117 = arith.addi %mul3A_110, %mul3A_116 : vector<16xi32>
      %mul3A_118 = arith.constant 32 : i32
      %mul3A_119 = vector.broadcast %mul3A_118 : i32 to vector<16xi32>
      %mul3A_120 = arith.muli %convert_element_type3A_102, %mul3A_119 : vector<16xi32>
      %add3A_121 = arith.addi %add3A_117, %mul3A_120 : vector<16xi32>
      %mul3A_122 = arith.constant 64 : i32
      %mul3A_123 = arith.muli %scan3A_22, %mul3A_122 : i32
      %add3A_124 = arith.constant 32 : i32
      %add3A_125 = arith.addi %mul3A_123, %add3A_124 : i32
      %swap3A_126 = arith.index_cast %add3A_125 : i32 to index
      %swap3A_127 = tpu.vector_load %arg6[%swap3A_126] {strides = array<i32>} : memref<8192xi32, #tpu.memory_space<vmem>>, vector<16xi32>,
      tpu.vector_store %arg6[%swap3A_126], %add3A_121 {strides = array<i32>} : memref<8192xi32, #tpu.memory_space<vmem>>, vector<16xi32>,
      %get3A_128 = arith.index_cast %scan3A_22 : i32 to index
      %get3A_129 = arith.constant 48 : index
      %get3A_130 = tpu.vector_load %arg5[%get3A_128, %get3A_129] {strides = array<i32>} : memref<128x64xi32, #tpu.memory_space<vmem>>, vector<16xi32>,
      %convert_element_type3A_131 = arith.sitofp %get3A_130 : vector<16xi32> to vector<16xf32>
      %cumsum3A_132 = arith.constant true
      %cumsum3A_133 = vector.broadcast %cumsum3A_132 : i1 to vector<16xi1>
      %cumsum3A_134 = tpu.scan <sum>, %convert_element_type3A_131 masked %cumsum3A_133 : vector<16xf32>, vector<16xi1> -> vector<16xf32>
      %sub3A_135 = arith.subf %cumsum3A_134, %convert_element_type3A_131 : vector<16xf32>
      %add3A_136 = vector.broadcast %add3A_107 : f32 to vector<16xf32>
      %add3A_137 = arith.addf %sub3A_135, %add3A_136 : vector<16xf32>
      %convert_element_type3A_138 = arith.fptosi %add3A_137 : vector<16xf32> to vector<16xi32>
      %reduce_sum3A_139 = arith.constant true
      %reduce_sum3A_140 = vector.broadcast %reduce_sum3A_139 : i1 to vector<16xi1>
      %reduce_sum3A_141 = tpu.scan <sum>, %convert_element_type3A_131 masked %reduce_sum3A_140 : vector<16xf32>, vector<16xi1> -> vector<16xf32>
      %reduce_sum3A_142 = vector.extract %reduce_sum3A_141[15] : f32 from vector<16xf32>
      %add3A_143 = arith.addf %add3A_107, %reduce_sum3A_142 : f32
      %mul3A_144 = arith.constant 69696 : i32
      %mul3A_145 = vector.broadcast %mul3A_144 : i32 to vector<16xi32>
      %mul3A_146 = arith.muli %get3A_130, %mul3A_145 : vector<16xi32>
      %add3A_147 = arith.constant 48 : i32
      %add3A_148 = vector.broadcast %add3A_147 : i32 to vector<16xi32>
      %add3A_149 = arith.addi %iota3A, %add3A_148 : vector<16xi32>
      %mul3A_150 = arith.constant 1090 : i32
      %mul3A_151 = vector.broadcast %mul3A_150 : i32 to vector<16xi32>
      %mul3A_152 = arith.muli %add3A_149, %mul3A_151 : vector<16xi32>
      %add3A_153 = arith.addi %mul3A_146, %mul3A_152 : vector<16xi32>
      %mul3A_154 = arith.constant 32 : i32
      %mul3A_155 = vector.broadcast %mul3A_154 : i32 to vector<16xi32>
      %mul3A_156 = arith.muli %convert_element_type3A_138, %mul3A_155 : vector<16xi32>
      %add3A_157 = arith.addi %add3A_153, %mul3A_156 : vector<16xi32>
      %mul3A_158 = arith.constant 64 : i32
      %mul3A_159 = arith.muli %scan3A_22, %mul3A_158 : i32
      %add3A_160 = arith.constant 48 : i32
      %add3A_161 = arith.addi %mul3A_159, %add3A_160 : i32
      %swap3A_162 = arith.index_cast %add3A_161 : i32 to index
      %swap3A_163 = tpu.vector_load %arg6[%swap3A_162] {strides = array<i32>} : memref<8192xi32, #tpu.memory_space<vmem>>, vector<16xi32>,
      tpu.vector_store %arg6[%swap3A_162], %add3A_157 {strides = array<i32>} : memref<8192xi32, #tpu.memory_space<vmem>>, vector<16xi32>,
      %scan3A_164 = arith.constant 0 : i32
      scf.yield %scan3A_164 : i32
    }
    %scan3A_8 = arith.constant 128 : i32
    %dma_start3A = arith.constant 0 : i32
    %dma_start3A_9 = tpu.memref_slice %arg6[%dma_start3A] : memref<8192xi32, #tpu.memory_space<vmem>> -> memref<128xi32, #tpu.memory_space<vmem>>
    %dma_start3A_10 = arith.constant 0 : i32
    %dma_start3A_11 = arith.constant 0 : i32
    %dma_start3A_12 = tpu.memref_slice %arg2[%dma_start3A_10, %dma_start3A_11] : memref<139392x64xf32, #tpu.memory_space<hbm>> -> memref<139392x64xf32, #tpu.memory_space<hbm>>
    tpu.enqueue_indirect_dma source(%dma_start3A_12 : memref<139392x64xf32, #tpu.memory_space<hbm>>) target(%arg7 : memref<128x64xf32, #tpu.memory_space<vmem>>) offsets(%dma_start3A_9 : memref<128xi32, #tpu.memory_space<vmem>>) semaphore(%arg11 : memref<!tpu.dma_semaphore, #tpu.memory_space<semaphore_mem>>)
    %scan3A_13 = arith.constant 0 : i32
    %scan3A_14 = arith.constant 0 : i32
    %scan3A_15 = arith.constant 8 : i32
    %scan3A_16 = arith.addi %scan3A_14, %scan3A_15 : i32
    %scan3A_17 = arith.constant 1 : i32
    %scan3A_18 = scf.for %scan3A_22 = %scan3A_14 to %scan3A_16 step %scan3A_17 iter_args(%scan3A_23 = %scan3A_13) -> (i32)  : i32 {
      %scan3A_24 = arith.constant 0 : i32
      %scan3A_25 = arith.constant 0 : i32
      %scan3A_26 = arith.constant 4 : i32
      %scan3A_27 = arith.addi %scan3A_25, %scan3A_26 : i32
      %scan3A_28 = arith.constant 1 : i32
      %scan3A_29 = scf.for %scan3A_163 = %scan3A_25 to %scan3A_27 step %scan3A_28 iter_args(%scan3A_164 = %scan3A_24) -> (i32)  : i32 {
        %mul3A_165 = arith.constant 8 : i32
        %mul3A_166 = arith.muli %scan3A_22, %mul3A_165 : i32
        %mul3A_167 = arith.constant 2 : i32
        %mul3A_168 = arith.muli %mul3A_167, %scan3A_163 : i32
        %add3A_169 = arith.addi %mul3A_166, %mul3A_168 : i32
        %mul3A_170 = arith.constant 4 : i32
        %mul3A_171 = arith.muli %mul3A_170, %scan3A_163 : i32
        %add3A_172 = arith.constant 1 : i32
        %add3A_173 = arith.addi %add3A_169, %add3A_172 : i32
        %mul3A_174 = arith.constant 128 : i32
        %mul3A_175 = arith.muli %add3A_173, %mul3A_174 : i32
        %dma_start3A_176 = tpu.memref_slice %arg6[%mul3A_175] : memref<8192xi32, #tpu.memory_space<vmem>> -> memref<128xi32, #tpu.memory_space<vmem>>
        %dma_start3A_177 = arith.constant 0 : i32
        %dma_start3A_178 = arith.constant 0 : i32
        %dma_start3A_179 = tpu.memref_slice %arg2[%dma_start3A_177, %dma_start3A_178] : memref<139392x64xf32, #tpu.memory_space<hbm>> -> memref<139392x64xf32, #tpu.memory_space<hbm>>
        tpu.enqueue_indirect_dma source(%dma_start3A_179 : memref<139392x64xf32, #tpu.memory_space<hbm>>) target(%arg8 : memref<128x64xf32, #tpu.memory_space<vmem>>) offsets(%dma_start3A_176 : memref<128xi32, #tpu.memory_space<vmem>>) semaphore(%arg12 : memref<!tpu.dma_semaphore, #tpu.memory_space<semaphore_mem>>)
        %mul3A_180 = arith.constant 128 : i32
        %mul3A_181 = arith.muli %add3A_169, %mul3A_180 : i32
        %dma_wait3A = tpu.memref_slice %arg6[%mul3A_181] : memref<8192xi32, #tpu.memory_space<vmem>> -> memref<128xi32, #tpu.memory_space<vmem>>
        %dma_wait3A_182 = arith.constant 0 : i32
        %dma_wait3A_183 = arith.constant 0 : i32
        %dma_wait3A_184 = tpu.memref_slice %arg2[%dma_wait3A_182, %dma_wait3A_183] : memref<139392x64xf32, #tpu.memory_space<hbm>> -> memref<139392x64xf32, #tpu.memory_space<hbm>>
        tpu.wait_indirect_dma semaphore(%arg11 : memref<!tpu.dma_semaphore, #tpu.memory_space<semaphore_mem>>) src(%dma_wait3A_184 : memref<139392x64xf32, #tpu.memory_space<hbm>>) dst(%arg7 : memref<128x64xf32, #tpu.memory_space<vmem>>)
        %broadcast_in_dim3A_185 = arith.constant 1.000000e+00 : f32
        %broadcast_in_dim3A_186 = vector.broadcast %broadcast_in_dim3A_185 : f32 to vector<16xf32>
        %scan3A_187 = arith.constant 0 : i32
        %scan3A_188 = arith.constant 8 : i32
        %scan3A_189 = arith.addi %scan3A_187, %scan3A_188 : i32
        %scan3A_190 = arith.constant 1 : i32
        %scan3A_191:8 = scf.for %scan3A_278 = %scan3A_187 to %scan3A_189 step %scan3A_190 iter_args(%scan3A_279 = %broadcast_in_dim3A_186, %scan3A_280 = %broadcast_in_dim3A_186, %scan3A_281 = %broadcast_in_dim3A_186, %scan3A_282 = %broadcast_in_dim3A_186, %scan3A_283 = %broadcast_in_dim3A_186, %scan3A_284 = %broadcast_in_dim3A_186, %scan3A_285 = %broadcast_in_dim3A_186, %scan3A_286 = %broadcast_in_dim3A_186) -> (vector<16xf32>, vector<16xf32>, vector<16xf32>, vector<16xf32>, vector<16xf32>, vector<16xf32>, vector<16xf32>, vector<16xf32>)  : i32 {
          %mul3A_287 = arith.constant 8 : i32
          %mul3A_288 = arith.muli %mul3A_287, %scan3A_278 : i32
          %add3A_289 = arith.constant 0 : i32
          %add3A_290 = arith.addi %add3A_289, %mul3A_288 : i32
          %add3A_291 = arith.constant 0 : i32
          %add3A_292 = arith.addi %add3A_290, %add3A_291 : i32
          %get3A = arith.index_cast %add3A_292 : i32 to index
          %get3A_293 = arith.constant 0 : index
          %get3A_294 = tpu.vector_load %arg7[%get3A, %get3A_293] {strides = array<i32>} : memref<128x64xf32, #tpu.memory_space<vmem>>, vector<16xf32>,
          %mul3A_295 = arith.mulf %scan3A_279, %get3A_294 : vector<16xf32>
          %get3A_296 = arith.index_cast %add3A_292 : i32 to index
          %get3A_297 = arith.constant 16 : index
          %get3A_298 = tpu.vector_load %arg7[%get3A_296, %get3A_297] {strides = array<i32>} : memref<128x64xf32, #tpu.memory_space<vmem>>, vector<16xf32>,
          %mul3A_299 = arith.mulf %scan3A_280, %get3A_298 : vector<16xf32>
          %get3A_300 = arith.index_cast %add3A_292 : i32 to index
          %get3A_301 = arith.constant 32 : index
          %get3A_302 = tpu.vector_load %arg7[%get3A_300, %get3A_301] {strides = array<i32>} : memref<128x64xf32, #tpu.memory_space<vmem>>, vector<16xf32>,
          %mul3A_303 = arith.mulf %scan3A_281, %get3A_302 : vector<16xf32>
          %get3A_304 = arith.index_cast %add3A_292 : i32 to index
          %get3A_305 = arith.constant 48 : index
          %get3A_306 = tpu.vector_load %arg7[%get3A_304, %get3A_305] {strides = array<i32>} : memref<128x64xf32, #tpu.memory_space<vmem>>, vector<16xf32>,
          %mul3A_307 = arith.mulf %scan3A_282, %get3A_306 : vector<16xf32>
          %mul3A_308 = arith.constant 8 : i32
          %mul3A_309 = arith.muli %mul3A_308, %scan3A_278 : i32
          %add3A_310 = arith.constant 0 : i32
          %add3A_311 = arith.addi %add3A_310, %mul3A_309 : i32
          %add3A_312 = arith.constant 1 : i32
          %add3A_313 = arith.addi %add3A_311, %add3A_312 : i32
          %get3A_314 = arith.index_cast %add3A_313 : i32 to index
          %get3A_315 = arith.constant 0 : index
          %get3A_316 = tpu.vector_load %arg7[%get3A_314, %get3A_315] {strides = array<i32>} : memref<128x64xf32, #tpu.memory_space<vmem>>, vector<16xf32>,
          %mul3A_317 = arith.mulf %scan3A_283, %get3A_316 : vector<16xf32>
          %get3A_318 = arith.index_cast %add3A_313 : i32 to index
          %get3A_319 = arith.constant 16 : index
          %get3A_320 = tpu.vector_load %arg7[%get3A_318, %get3A_319] {strides = array<i32>} : memref<128x64xf32, #tpu.memory_space<vmem>>, vector<16xf32>,
          %mul3A_321 = arith.mulf %scan3A_284, %get3A_320 : vector<16xf32>
          %get3A_322 = arith.index_cast %add3A_313 : i32 to index
          %get3A_323 = arith.constant 32 : index
          %get3A_324 = tpu.vector_load %arg7[%get3A_322, %get3A_323] {strides = array<i32>} : memref<128x64xf32, #tpu.memory_space<vmem>>, vector<16xf32>,
          %mul3A_325 = arith.mulf %scan3A_285, %get3A_324 : vector<16xf32>
          %get3A_326 = arith.index_cast %add3A_313 : i32 to index
          %get3A_327 = arith.constant 48 : index
          %get3A_328 = tpu.vector_load %arg7[%get3A_326, %get3A_327] {strides = array<i32>} : memref<128x64xf32, #tpu.memory_space<vmem>>, vector<16xf32>,
          %mul3A_329 = arith.mulf %scan3A_286, %get3A_328 : vector<16xf32>
          %mul3A_330 = arith.constant 8 : i32
          %mul3A_331 = arith.muli %mul3A_330, %scan3A_278 : i32
          %add3A_332 = arith.constant 0 : i32
          %add3A_333 = arith.addi %add3A_332, %mul3A_331 : i32
          %add3A_334 = arith.constant 2 : i32
          %add3A_335 = arith.addi %add3A_333, %add3A_334 : i32
          %get3A_336 = arith.index_cast %add3A_335 : i32 to index
          %get3A_337 = arith.constant 0 : index
          %get3A_338 = tpu.vector_load %arg7[%get3A_336, %get3A_337] {strides = array<i32>} : memref<128x64xf32, #tpu.memory_space<vmem>>, vector<16xf32>,
          %mul3A_339 = arith.mulf %mul3A_295, %get3A_338 : vector<16xf32>
          %get3A_340 = arith.index_cast %add3A_335 : i32 to index
          %get3A_341 = arith.constant 16 : index
          %get3A_342 = tpu.vector_load %arg7[%get3A_340, %get3A_341] {strides = array<i32>} : memref<128x64xf32, #tpu.memory_space<vmem>>, vector<16xf32>,
          %mul3A_343 = arith.mulf %mul3A_299, %get3A_342 : vector<16xf32>
          %get3A_344 = arith.index_cast %add3A_335 : i32 to index
          %get3A_345 = arith.constant 32 : index
          %get3A_346 = tpu.vector_load %arg7[%get3A_344, %get3A_345] {strides = array<i32>} : memref<128x64xf32, #tpu.memory_space<vmem>>, vector<16xf32>,
          %mul3A_347 = arith.mulf %mul3A_303, %get3A_346 : vector<16xf32>
          %get3A_348 = arith.index_cast %add3A_335 : i32 to index
          %get3A_349 = arith.constant 48 : index
          %get3A_350 = tpu.vector_load %arg7[%get3A_348, %get3A_349] {strides = array<i32>} : memref<128x64xf32, #tpu.memory_space<vmem>>, vector<16xf32>,
          %mul3A_351 = arith.mulf %mul3A_307, %get3A_350 : vector<16xf32>
          %mul3A_352 = arith.constant 8 : i32
          %mul3A_353 = arith.muli %mul3A_352, %scan3A_278 : i32
          %add3A_354 = arith.constant 0 : i32
          %add3A_355 = arith.addi %add3A_354, %mul3A_353 : i32
          %add3A_356 = arith.constant 3 : i32
          %add3A_357 = arith.addi %add3A_355, %add3A_356 : i32
          %get3A_358 = arith.index_cast %add3A_357 : i32 to index
          %get3A_359 = arith.constant 0 : index
          %get3A_360 = tpu.vector_load %arg7[%get3A_358, %get3A_359] {strides = array<i32>} : memref<128x64xf32, #tpu.memory_space<vmem>>, vector<16xf32>,
          %mul3A_361 = arith.mulf %mul3A_317, %get3A_360 : vector<16xf32>
          %get3A_362 = arith.index_cast %add3A_357 : i32 to index
          %get3A_363 = arith.constant 16 : index
          %get3A_364 = tpu.vector_load %arg7[%get3A_362, %get3A_363] {strides = array<i32>} : memref<128x64xf32, #tpu.memory_space<vmem>>, vector<16xf32>,
          %mul3A_365 = arith.mulf %mul3A_321, %get3A_364 : vector<16xf32>
          %get3A_366 = arith.index_cast %add3A_357 : i32 to index
          %get3A_367 = arith.constant 32 : index
          %get3A_368 = tpu.vector_load %arg7[%get3A_366, %get3A_367] {strides = array<i32>} : memref<128x64xf32, #tpu.memory_space<vmem>>, vector<16xf32>,
          %mul3A_369 = arith.mulf %mul3A_325, %get3A_368 : vector<16xf32>
          %get3A_370 = arith.index_cast %add3A_357 : i32 to index
          %get3A_371 = arith.constant 48 : index
          %get3A_372 = tpu.vector_load %arg7[%get3A_370, %get3A_371] {strides = array<i32>} : memref<128x64xf32, #tpu.memory_space<vmem>>, vector<16xf32>,
          %mul3A_373 = arith.mulf %mul3A_329, %get3A_372 : vector<16xf32>
          %mul3A_374 = arith.constant 8 : i32
          %mul3A_375 = arith.muli %mul3A_374, %scan3A_278 : i32
          %add3A_376 = arith.constant 0 : i32
          %add3A_377 = arith.addi %add3A_376, %mul3A_375 : i32
          %add3A_378 = arith.constant 4 : i32
          %add3A_379 = arith.addi %add3A_377, %add3A_378 : i32
          %get3A_380 = arith.index_cast %add3A_379 : i32 to index
          %get3A_381 = arith.constant 0 : index
          %get3A_382 = tpu.vector_load %arg7[%get3A_380, %get3A_381] {strides = array<i32>} : memref<128x64xf32, #tpu.memory_space<vmem>>, vector<16xf32>,
          %mul3A_383 = arith.mulf %mul3A_339, %get3A_382 : vector<16xf32>
          %get3A_384 = arith.index_cast %add3A_379 : i32 to index
          %get3A_385 = arith.constant 16 : index
          %get3A_386 = tpu.vector_load %arg7[%get3A_384, %get3A_385] {strides = array<i32>} : memref<128x64xf32, #tpu.memory_space<vmem>>, vector<16xf32>,
          %mul3A_387 = arith.mulf %mul3A_343, %get3A_386 : vector<16xf32>
          %get3A_388 = arith.index_cast %add3A_379 : i32 to index
          %get3A_389 = arith.constant 32 : index
          %get3A_390 = tpu.vector_load %arg7[%get3A_388, %get3A_389] {strides = array<i32>} : memref<128x64xf32, #tpu.memory_space<vmem>>, vector<16xf32>,
          %mul3A_391 = arith.mulf %mul3A_347, %get3A_390 : vector<16xf32>
          %get3A_392 = arith.index_cast %add3A_379 : i32 to index
          %get3A_393 = arith.constant 48 : index
          %get3A_394 = tpu.vector_load %arg7[%get3A_392, %get3A_393] {strides = array<i32>} : memref<128x64xf32, #tpu.memory_space<vmem>>, vector<16xf32>,
          %mul3A_395 = arith.mulf %mul3A_351, %get3A_394 : vector<16xf32>
          %mul3A_396 = arith.constant 8 : i32
          %mul3A_397 = arith.muli %mul3A_396, %scan3A_278 : i32
          %add3A_398 = arith.constant 0 : i32
          %add3A_399 = arith.addi %add3A_398, %mul3A_397 : i32
          %add3A_400 = arith.constant 5 : i32
          %add3A_401 = arith.addi %add3A_399, %add3A_400 : i32
          %get3A_402 = arith.index_cast %add3A_401 : i32 to index
          %get3A_403 = arith.constant 0 : index
          %get3A_404 = tpu.vector_load %arg7[%get3A_402, %get3A_403] {strides = array<i32>} : memref<128x64xf32, #tpu.memory_space<vmem>>, vector<16xf32>,
          %mul3A_405 = arith.mulf %mul3A_361, %get3A_404 : vector<16xf32>
          %get3A_406 = arith.index_cast %add3A_401 : i32 to index
          %get3A_407 = arith.constant 16 : index
          %get3A_408 = tpu.vector_load %arg7[%get3A_406, %get3A_407] {strides = array<i32>} : memref<128x64xf32, #tpu.memory_space<vmem>>, vector<16xf32>,
          %mul3A_409 = arith.mulf %mul3A_365, %get3A_408 : vector<16xf32>
          %get3A_410 = arith.index_cast %add3A_401 : i32 to index
          %get3A_411 = arith.constant 32 : index
          %get3A_412 = tpu.vector_load %arg7[%get3A_410, %get3A_411] {strides = array<i32>} : memref<128x64xf32, #tpu.memory_space<vmem>>, vector<16xf32>,
          %mul3A_413 = arith.mulf %mul3A_369, %get3A_412 : vector<16xf32>
          %get3A_414 = arith.index_cast %add3A_401 : i32 to index
          %get3A_415 = arith.constant 48 : index
          %get3A_416 = tpu.vector_load %arg7[%get3A_414, %get3A_415] {strides = array<i32>} : memref<128x64xf32, #tpu.memory_space<vmem>>, vector<16xf32>,
          %mul3A_417 = arith.mulf %mul3A_373, %get3A_416 : vector<16xf32>
          %mul3A_418 = arith.constant 8 : i32
          %mul3A_419 = arith.muli %mul3A_418, %scan3A_278 : i32
          %add3A_420 = arith.constant 0 : i32
          %add3A_421 = arith.addi %add3A_420, %mul3A_419 : i32
          %add3A_422 = arith.constant 6 : i32
          %add3A_423 = arith.addi %add3A_421, %add3A_422 : i32
          %get3A_424 = arith.index_cast %add3A_423 : i32 to index
          %get3A_425 = arith.constant 0 : index
          %get3A_426 = tpu.vector_load %arg7[%get3A_424, %get3A_425] {strides = array<i32>} : memref<128x64xf32, #tpu.memory_space<vmem>>, vector<16xf32>,
          %mul3A_427 = arith.mulf %mul3A_383, %get3A_426 : vector<16xf32>
          %get3A_428 = arith.index_cast %add3A_423 : i32 to index
          %get3A_429 = arith.constant 16 : index
          %get3A_430 = tpu.vector_load %arg7[%get3A_428, %get3A_429] {strides = array<i32>} : memref<128x64xf32, #tpu.memory_space<vmem>>, vector<16xf32>,
          %mul3A_431 = arith.mulf %mul3A_387, %get3A_430 : vector<16xf32>
          %get3A_432 = arith.index_cast %add3A_423 : i32 to index
          %get3A_433 = arith.constant 32 : index
          %get3A_434 = tpu.vector_load %arg7[%get3A_432, %get3A_433] {strides = array<i32>} : memref<128x64xf32, #tpu.memory_space<vmem>>, vector<16xf32>,
          %mul3A_435 = arith.mulf %mul3A_391, %get3A_434 : vector<16xf32>
          %get3A_436 = arith.index_cast %add3A_423 : i32 to index
          %get3A_437 = arith.constant 48 : index
          %get3A_438 = tpu.vector_load %arg7[%get3A_436, %get3A_437] {strides = array<i32>} : memref<128x64xf32, #tpu.memory_space<vmem>>, vector<16xf32>,
          %mul3A_439 = arith.mulf %mul3A_395, %get3A_438 : vector<16xf32>
          %mul3A_440 = arith.constant 8 : i32
          %mul3A_441 = arith.muli %mul3A_440, %scan3A_278 : i32
          %add3A_442 = arith.constant 0 : i32
          %add3A_443 = arith.addi %add3A_442, %mul3A_441 : i32
          %add3A_444 = arith.constant 7 : i32
          %add3A_445 = arith.addi %add3A_443, %add3A_444 : i32
          %get3A_446 = arith.index_cast %add3A_445 : i32 to index
          %get3A_447 = arith.constant 0 : index
          %get3A_448 = tpu.vector_load %arg7[%get3A_446, %get3A_447] {strides = array<i32>} : memref<128x64xf32, #tpu.memory_space<vmem>>, vector<16xf32>,
          %mul3A_449 = arith.mulf %mul3A_405, %get3A_448 : vector<16xf32>
          %get3A_450 = arith.index_cast %add3A_445 : i32 to index
          %get3A_451 = arith.constant 16 : index
          %get3A_452 = tpu.vector_load %arg7[%get3A_450, %get3A_451] {strides = array<i32>} : memref<128x64xf32, #tpu.memory_space<vmem>>, vector<16xf32>,
          %mul3A_453 = arith.mulf %mul3A_409, %get3A_452 : vector<16xf32>
          %get3A_454 = arith.index_cast %add3A_445 : i32 to index
          %get3A_455 = arith.constant 32 : index
          %get3A_456 = tpu.vector_load %arg7[%get3A_454, %get3A_455] {strides = array<i32>} : memref<128x64xf32, #tpu.memory_space<vmem>>, vector<16xf32>,
          %mul3A_457 = arith.mulf %mul3A_413, %get3A_456 : vector<16xf32>
          %get3A_458 = arith.index_cast %add3A_445 : i32 to index
          %get3A_459 = arith.constant 48 : index
          %get3A_460 = tpu.vector_load %arg7[%get3A_458, %get3A_459] {strides = array<i32>} : memref<128x64xf32, #tpu.memory_space<vmem>>, vector<16xf32>,
          %mul3A_461 = arith.mulf %mul3A_417, %get3A_460 : vector<16xf32>
          scf.yield %mul3A_427, %mul3A_431, %mul3A_435, %mul3A_439, %mul3A_449, %mul3A_453, %mul3A_457, %mul3A_461 : vector<16xf32>, vector<16xf32>, vector<16xf32>, vector<16xf32>, vector<16xf32>, vector<16xf32>, vector<16xf32>, vector<16xf32>
        }
        %scan3A_192 = arith.constant 8 : i32
        %mul3A_193 = arith.mulf %scan3A_191#0, %scan3A_191#4 : vector<16xf32>
        %mul3A_194 = arith.mulf %scan3A_191#1, %scan3A_191#5 : vector<16xf32>
        %add3A_195 = arith.addf %mul3A_193, %mul3A_194 : vector<16xf32>
        %mul3A_196 = arith.mulf %scan3A_191#2, %scan3A_191#6 : vector<16xf32>
        %add3A_197 = arith.addf %add3A_195, %mul3A_196 : vector<16xf32>
        %mul3A_198 = arith.mulf %scan3A_191#3, %scan3A_191#7 : vector<16xf32>
        %add3A_199 = arith.addf %add3A_197, %mul3A_198 : vector<16xf32>
        %broadcast_in_dim3A_200 = arith.constant 1.000000e+00 : f32
        %broadcast_in_dim3A_201 = vector.broadcast %broadcast_in_dim3A_200 : f32 to vector<16xf32>
        %scan3A_202 = arith.constant 0 : i32
        %scan3A_203 = arith.constant 8 : i32
        %scan3A_204 = arith.addi %scan3A_202, %scan3A_203 : i32
        %scan3A_205 = arith.constant 1 : i32
        %scan3A_206:8 = scf.for %scan3A_278 = %scan3A_202 to %scan3A_204 step %scan3A_205 iter_args(%scan3A_279 = %broadcast_in_dim3A_201, %scan3A_280 = %broadcast_in_dim3A_201, %scan3A_281 = %broadcast_in_dim3A_201, %scan3A_282 = %broadcast_in_dim3A_201, %scan3A_283 = %broadcast_in_dim3A_201, %scan3A_284 = %broadcast_in_dim3A_201, %scan3A_285 = %broadcast_in_dim3A_201, %scan3A_286 = %broadcast_in_dim3A_201) -> (vector<16xf32>, vector<16xf32>, vector<16xf32>, vector<16xf32>, vector<16xf32>, vector<16xf32>, vector<16xf32>, vector<16xf32>)  : i32 {
          %mul3A_287 = arith.constant 8 : i32
          %mul3A_288 = arith.muli %mul3A_287, %scan3A_278 : i32
          %add3A_289 = arith.constant 64 : i32
          %add3A_290 = arith.addi %add3A_289, %mul3A_288 : i32
          %add3A_291 = arith.constant 0 : i32
          %add3A_292 = arith.addi %add3A_290, %add3A_291 : i32
          %get3A = arith.index_cast %add3A_292 : i32 to index
          %get3A_293 = arith.constant 0 : index
          %get3A_294 = tpu.vector_load %arg7[%get3A, %get3A_293] {strides = array<i32>} : memref<128x64xf32, #tpu.memory_space<vmem>>, vector<16xf32>,
          %mul3A_295 = arith.mulf %scan3A_279, %get3A_294 : vector<16xf32>
          %get3A_296 = arith.index_cast %add3A_292 : i32 to index
          %get3A_297 = arith.constant 16 : index
          %get3A_298 = tpu.vector_load %arg7[%get3A_296, %get3A_297] {strides = array<i32>} : memref<128x64xf32, #tpu.memory_space<vmem>>, vector<16xf32>,
          %mul3A_299 = arith.mulf %scan3A_280, %get3A_298 : vector<16xf32>
          %get3A_300 = arith.index_cast %add3A_292 : i32 to index
          %get3A_301 = arith.constant 32 : index
          %get3A_302 = tpu.vector_load %arg7[%get3A_300, %get3A_301] {strides = array<i32>} : memref<128x64xf32, #tpu.memory_space<vmem>>, vector<16xf32>,
          %mul3A_303 = arith.mulf %scan3A_281, %get3A_302 : vector<16xf32>
          %get3A_304 = arith.index_cast %add3A_292 : i32 to index
          %get3A_305 = arith.constant 48 : index
          %get3A_306 = tpu.vector_load %arg7[%get3A_304, %get3A_305] {strides = array<i32>} : memref<128x64xf32, #tpu.memory_space<vmem>>, vector<16xf32>,
          %mul3A_307 = arith.mulf %scan3A_282, %get3A_306 : vector<16xf32>
          %mul3A_308 = arith.constant 8 : i32
          %mul3A_309 = arith.muli %mul3A_308, %scan3A_278 : i32
          %add3A_310 = arith.constant 64 : i32
          %add3A_311 = arith.addi %add3A_310, %mul3A_309 : i32
          %add3A_312 = arith.constant 1 : i32
          %add3A_313 = arith.addi %add3A_311, %add3A_312 : i32
          %get3A_314 = arith.index_cast %add3A_313 : i32 to index
          %get3A_315 = arith.constant 0 : index
          %get3A_316 = tpu.vector_load %arg7[%get3A_314, %get3A_315] {strides = array<i32>} : memref<128x64xf32, #tpu.memory_space<vmem>>, vector<16xf32>,
          %mul3A_317 = arith.mulf %scan3A_283, %get3A_316 : vector<16xf32>
          %get3A_318 = arith.index_cast %add3A_313 : i32 to index
          %get3A_319 = arith.constant 16 : index
          %get3A_320 = tpu.vector_load %arg7[%get3A_318, %get3A_319] {strides = array<i32>} : memref<128x64xf32, #tpu.memory_space<vmem>>, vector<16xf32>,
          %mul3A_321 = arith.mulf %scan3A_284, %get3A_320 : vector<16xf32>
          %get3A_322 = arith.index_cast %add3A_313 : i32 to index
          %get3A_323 = arith.constant 32 : index
          %get3A_324 = tpu.vector_load %arg7[%get3A_322, %get3A_323] {strides = array<i32>} : memref<128x64xf32, #tpu.memory_space<vmem>>, vector<16xf32>,
          %mul3A_325 = arith.mulf %scan3A_285, %get3A_324 : vector<16xf32>
          %get3A_326 = arith.index_cast %add3A_313 : i32 to index
          %get3A_327 = arith.constant 48 : index
          %get3A_328 = tpu.vector_load %arg7[%get3A_326, %get3A_327] {strides = array<i32>} : memref<128x64xf32, #tpu.memory_space<vmem>>, vector<16xf32>,
          %mul3A_329 = arith.mulf %scan3A_286, %get3A_328 : vector<16xf32>
          %mul3A_330 = arith.constant 8 : i32
          %mul3A_331 = arith.muli %mul3A_330, %scan3A_278 : i32
          %add3A_332 = arith.constant 64 : i32
          %add3A_333 = arith.addi %add3A_332, %mul3A_331 : i32
          %add3A_334 = arith.constant 2 : i32
          %add3A_335 = arith.addi %add3A_333, %add3A_334 : i32
          %get3A_336 = arith.index_cast %add3A_335 : i32 to index
          %get3A_337 = arith.constant 0 : index
          %get3A_338 = tpu.vector_load %arg7[%get3A_336, %get3A_337] {strides = array<i32>} : memref<128x64xf32, #tpu.memory_space<vmem>>, vector<16xf32>,
          %mul3A_339 = arith.mulf %mul3A_295, %get3A_338 : vector<16xf32>
          %get3A_340 = arith.index_cast %add3A_335 : i32 to index
          %get3A_341 = arith.constant 16 : index
          %get3A_342 = tpu.vector_load %arg7[%get3A_340, %get3A_341] {strides = array<i32>} : memref<128x64xf32, #tpu.memory_space<vmem>>, vector<16xf32>,
          %mul3A_343 = arith.mulf %mul3A_299, %get3A_342 : vector<16xf32>
          %get3A_344 = arith.index_cast %add3A_335 : i32 to index
          %get3A_345 = arith.constant 32 : index
          %get3A_346 = tpu.vector_load %arg7[%get3A_344, %get3A_345] {strides = array<i32>} : memref<128x64xf32, #tpu.memory_space<vmem>>, vector<16xf32>,
          %mul3A_347 = arith.mulf %mul3A_303, %get3A_346 : vector<16xf32>
          %get3A_348 = arith.index_cast %add3A_335 : i32 to index
          %get3A_349 = arith.constant 48 : index
          %get3A_350 = tpu.vector_load %arg7[%get3A_348, %get3A_349] {strides = array<i32>} : memref<128x64xf32, #tpu.memory_space<vmem>>, vector<16xf32>,
          %mul3A_351 = arith.mulf %mul3A_307, %get3A_350 : vector<16xf32>
          %mul3A_352 = arith.constant 8 : i32
          %mul3A_353 = arith.muli %mul3A_352, %scan3A_278 : i32
          %add3A_354 = arith.constant 64 : i32
          %add3A_355 = arith.addi %add3A_354, %mul3A_353 : i32
          %add3A_356 = arith.constant 3 : i32
          %add3A_357 = arith.addi %add3A_355, %add3A_356 : i32
          %get3A_358 = arith.index_cast %add3A_357 : i32 to index
          %get3A_359 = arith.constant 0 : index
          %get3A_360 = tpu.vector_load %arg7[%get3A_358, %get3A_359] {strides = array<i32>} : memref<128x64xf32, #tpu.memory_space<vmem>>, vector<16xf32>,
          %mul3A_361 = arith.mulf %mul3A_317, %get3A_360 : vector<16xf32>
          %get3A_362 = arith.index_cast %add3A_357 : i32 to index
          %get3A_363 = arith.constant 16 : index
          %get3A_364 = tpu.vector_load %arg7[%get3A_362, %get3A_363] {strides = array<i32>} : memref<128x64xf32, #tpu.memory_space<vmem>>, vector<16xf32>,
          %mul3A_365 = arith.mulf %mul3A_321, %get3A_364 : vector<16xf32>
          %get3A_366 = arith.index_cast %add3A_357 : i32 to index
          %get3A_367 = arith.constant 32 : index
          %get3A_368 = tpu.vector_load %arg7[%get3A_366, %get3A_367] {strides = array<i32>} : memref<128x64xf32, #tpu.memory_space<vmem>>, vector<16xf32>,
          %mul3A_369 = arith.mulf %mul3A_325, %get3A_368 : vector<16xf32>
          %get3A_370 = arith.index_cast %add3A_357 : i32 to index
          %get3A_371 = arith.constant 48 : index
          %get3A_372 = tpu.vector_load %arg7[%get3A_370, %get3A_371] {strides = array<i32>} : memref<128x64xf32, #tpu.memory_space<vmem>>, vector<16xf32>,
          %mul3A_373 = arith.mulf %mul3A_329, %get3A_372 : vector<16xf32>
          %mul3A_374 = arith.constant 8 : i32
          %mul3A_375 = arith.muli %mul3A_374, %scan3A_278 : i32
          %add3A_376 = arith.constant 64 : i32
          %add3A_377 = arith.addi %add3A_376, %mul3A_375 : i32
          %add3A_378 = arith.constant 4 : i32
          %add3A_379 = arith.addi %add3A_377, %add3A_378 : i32
          %get3A_380 = arith.index_cast %add3A_379 : i32 to index
          %get3A_381 = arith.constant 0 : index
          %get3A_382 = tpu.vector_load %arg7[%get3A_380, %get3A_381] {strides = array<i32>} : memref<128x64xf32, #tpu.memory_space<vmem>>, vector<16xf32>,
          %mul3A_383 = arith.mulf %mul3A_339, %get3A_382 : vector<16xf32>
          %get3A_384 = arith.index_cast %add3A_379 : i32 to index
          %get3A_385 = arith.constant 16 : index
          %get3A_386 = tpu.vector_load %arg7[%get3A_384, %get3A_385] {strides = array<i32>} : memref<128x64xf32, #tpu.memory_space<vmem>>, vector<16xf32>,
          %mul3A_387 = arith.mulf %mul3A_343, %get3A_386 : vector<16xf32>
          %get3A_388 = arith.index_cast %add3A_379 : i32 to index
          %get3A_389 = arith.constant 32 : index
          %get3A_390 = tpu.vector_load %arg7[%get3A_388, %get3A_389] {strides = array<i32>} : memref<128x64xf32, #tpu.memory_space<vmem>>, vector<16xf32>,
          %mul3A_391 = arith.mulf %mul3A_347, %get3A_390 : vector<16xf32>
          %get3A_392 = arith.index_cast %add3A_379 : i32 to index
          %get3A_393 = arith.constant 48 : index
          %get3A_394 = tpu.vector_load %arg7[%get3A_392, %get3A_393] {strides = array<i32>} : memref<128x64xf32, #tpu.memory_space<vmem>>, vector<16xf32>,
          %mul3A_395 = arith.mulf %mul3A_351, %get3A_394 : vector<16xf32>
          %mul3A_396 = arith.constant 8 : i32
          %mul3A_397 = arith.muli %mul3A_396, %scan3A_278 : i32
          %add3A_398 = arith.constant 64 : i32
          %add3A_399 = arith.addi %add3A_398, %mul3A_397 : i32
          %add3A_400 = arith.constant 5 : i32
          %add3A_401 = arith.addi %add3A_399, %add3A_400 : i32
          %get3A_402 = arith.index_cast %add3A_401 : i32 to index
          %get3A_403 = arith.constant 0 : index
          %get3A_404 = tpu.vector_load %arg7[%get3A_402, %get3A_403] {strides = array<i32>} : memref<128x64xf32, #tpu.memory_space<vmem>>, vector<16xf32>,
          %mul3A_405 = arith.mulf %mul3A_361, %get3A_404 : vector<16xf32>
          %get3A_406 = arith.index_cast %add3A_401 : i32 to index
          %get3A_407 = arith.constant 16 : index
          %get3A_408 = tpu.vector_load %arg7[%get3A_406, %get3A_407] {strides = array<i32>} : memref<128x64xf32, #tpu.memory_space<vmem>>, vector<16xf32>,
          %mul3A_409 = arith.mulf %mul3A_365, %get3A_408 : vector<16xf32>
          %get3A_410 = arith.index_cast %add3A_401 : i32 to index
          %get3A_411 = arith.constant 32 : index
          %get3A_412 = tpu.vector_load %arg7[%get3A_410, %get3A_411] {strides = array<i32>} : memref<128x64xf32, #tpu.memory_space<vmem>>, vector<16xf32>,
          %mul3A_413 = arith.mulf %mul3A_369, %get3A_412 : vector<16xf32>
          %get3A_414 = arith.index_cast %add3A_401 : i32 to index
          %get3A_415 = arith.constant 48 : index
          %get3A_416 = tpu.vector_load %arg7[%get3A_414, %get3A_415] {strides = array<i32>} : memref<128x64xf32, #tpu.memory_space<vmem>>, vector<16xf32>,
          %mul3A_417 = arith.mulf %mul3A_373, %get3A_416 : vector<16xf32>
          %mul3A_418 = arith.constant 8 : i32
          %mul3A_419 = arith.muli %mul3A_418, %scan3A_278 : i32
          %add3A_420 = arith.constant 64 : i32
          %add3A_421 = arith.addi %add3A_420, %mul3A_419 : i32
          %add3A_422 = arith.constant 6 : i32
          %add3A_423 = arith.addi %add3A_421, %add3A_422 : i32
          %get3A_424 = arith.index_cast %add3A_423 : i32 to index
          %get3A_425 = arith.constant 0 : index
          %get3A_426 = tpu.vector_load %arg7[%get3A_424, %get3A_425] {strides = array<i32>} : memref<128x64xf32, #tpu.memory_space<vmem>>, vector<16xf32>,
          %mul3A_427 = arith.mulf %mul3A_383, %get3A_426 : vector<16xf32>
          %get3A_428 = arith.index_cast %add3A_423 : i32 to index
          %get3A_429 = arith.constant 16 : index
          %get3A_430 = tpu.vector_load %arg7[%get3A_428, %get3A_429] {strides = array<i32>} : memref<128x64xf32, #tpu.memory_space<vmem>>, vector<16xf32>,
          %mul3A_431 = arith.mulf %mul3A_387, %get3A_430 : vector<16xf32>
          %get3A_432 = arith.index_cast %add3A_423 : i32 to index
          %get3A_433 = arith.constant 32 : index
          %get3A_434 = tpu.vector_load %arg7[%get3A_432, %get3A_433] {strides = array<i32>} : memref<128x64xf32, #tpu.memory_space<vmem>>, vector<16xf32>,
          %mul3A_435 = arith.mulf %mul3A_391, %get3A_434 : vector<16xf32>
          %get3A_436 = arith.index_cast %add3A_423 : i32 to index
          %get3A_437 = arith.constant 48 : index
          %get3A_438 = tpu.vector_load %arg7[%get3A_436, %get3A_437] {strides = array<i32>} : memref<128x64xf32, #tpu.memory_space<vmem>>, vector<16xf32>,
          %mul3A_439 = arith.mulf %mul3A_395, %get3A_438 : vector<16xf32>
          %mul3A_440 = arith.constant 8 : i32
          %mul3A_441 = arith.muli %mul3A_440, %scan3A_278 : i32
          %add3A_442 = arith.constant 64 : i32
          %add3A_443 = arith.addi %add3A_442, %mul3A_441 : i32
          %add3A_444 = arith.constant 7 : i32
          %add3A_445 = arith.addi %add3A_443, %add3A_444 : i32
          %get3A_446 = arith.index_cast %add3A_445 : i32 to index
          %get3A_447 = arith.constant 0 : index
          %get3A_448 = tpu.vector_load %arg7[%get3A_446, %get3A_447] {strides = array<i32>} : memref<128x64xf32, #tpu.memory_space<vmem>>, vector<16xf32>,
          %mul3A_449 = arith.mulf %mul3A_405, %get3A_448 : vector<16xf32>
          %get3A_450 = arith.index_cast %add3A_445 : i32 to index
          %get3A_451 = arith.constant 16 : index
          %get3A_452 = tpu.vector_load %arg7[%get3A_450, %get3A_451] {strides = array<i32>} : memref<128x64xf32, #tpu.memory_space<vmem>>, vector<16xf32>,
          %mul3A_453 = arith.mulf %mul3A_409, %get3A_452 : vector<16xf32>
          %get3A_454 = arith.index_cast %add3A_445 : i32 to index
          %get3A_455 = arith.constant 32 : index
          %get3A_456 = tpu.vector_load %arg7[%get3A_454, %get3A_455] {strides = array<i32>} : memref<128x64xf32, #tpu.memory_space<vmem>>, vector<16xf32>,
          %mul3A_457 = arith.mulf %mul3A_413, %get3A_456 : vector<16xf32>
          %get3A_458 = arith.index_cast %add3A_445 : i32 to index
          %get3A_459 = arith.constant 48 : index
          %get3A_460 = tpu.vector_load %arg7[%get3A_458, %get3A_459] {strides = array<i32>} : memref<128x64xf32, #tpu.memory_space<vmem>>, vector<16xf32>,
          %mul3A_461 = arith.mulf %mul3A_417, %get3A_460 : vector<16xf32>
          scf.yield %mul3A_427, %mul3A_431, %mul3A_435, %mul3A_439, %mul3A_449, %mul3A_453, %mul3A_457, %mul3A_461 : vector<16xf32>, vector<16xf32>, vector<16xf32>, vector<16xf32>, vector<16xf32>, vector<16xf32>, vector<16xf32>, vector<16xf32>
        }
        %scan3A_207 = arith.constant 8 : i32
        %mul3A_208 = arith.mulf %scan3A_206#0, %scan3A_206#4 : vector<16xf32>
        %mul3A_209 = arith.mulf %scan3A_206#1, %scan3A_206#5 : vector<16xf32>
        %add3A_210 = arith.addf %mul3A_208, %mul3A_209 : vector<16xf32>
        %mul3A_211 = arith.mulf %scan3A_206#2, %scan3A_206#6 : vector<16xf32>
        %add3A_212 = arith.addf %add3A_210, %mul3A_211 : vector<16xf32>
        %mul3A_213 = arith.mulf %scan3A_206#3, %scan3A_206#7 : vector<16xf32>
        %add3A_214 = arith.addf %add3A_212, %mul3A_213 : vector<16xf32>
        %lt3A = arith.constant 62 : i32
        %lt3A_215 = arith.cmpi slt, %add3A_169, %lt3A : i32
        %convert_element_type3A = arith.extui %lt3A_215 : i1 to i32
        %cond3A = arith.constant 0 : i32
        %cond3A_216 = arith.cmpi ne, %convert_element_type3A, %cond3A : i32
        scf.if %cond3A_216 {
          %add3A_278 = arith.constant 2 : i32
          %add3A_279 = arith.addi %add3A_169, %add3A_278 : i32
          %mul3A_280 = arith.constant 128 : i32
          %mul3A_281 = arith.muli %add3A_279, %mul3A_280 : i32
          %dma_start3A_282 = tpu.memref_slice %arg6[%mul3A_281] : memref<8192xi32, #tpu.memory_space<vmem>> -> memref<128xi32, #tpu.memory_space<vmem>>
          %dma_start3A_283 = arith.constant 0 : i32
          %dma_start3A_284 = arith.constant 0 : i32
          %dma_start3A_285 = tpu.memref_slice %arg2[%dma_start3A_283, %dma_start3A_284] : memref<139392x64xf32, #tpu.memory_space<hbm>> -> memref<139392x64xf32, #tpu.memory_space<hbm>>
          tpu.enqueue_indirect_dma source(%dma_start3A_285 : memref<139392x64xf32, #tpu.memory_space<hbm>>) target(%arg7 : memref<128x64xf32, #tpu.memory_space<vmem>>) offsets(%dma_start3A_282 : memref<128xi32, #tpu.memory_space<vmem>>) semaphore(%arg11 : memref<!tpu.dma_semaphore, #tpu.memory_space<semaphore_mem>>)
        } else {
        }
        %add3A_217 = arith.constant 1 : i32
        %add3A_218 = arith.addi %add3A_169, %add3A_217 : i32
        %mul3A_219 = arith.constant 128 : i32
        %mul3A_220 = arith.muli %add3A_218, %mul3A_219 : i32
        %dma_wait3A_221 = tpu.memref_slice %arg6[%mul3A_220] : memref<8192xi32, #tpu.memory_space<vmem>> -> memref<128xi32, #tpu.memory_space<vmem>>
        %dma_wait3A_222 = arith.constant 0 : i32
        %dma_wait3A_223 = arith.constant 0 : i32
        %dma_wait3A_224 = tpu.memref_slice %arg2[%dma_wait3A_222, %dma_wait3A_223] : memref<139392x64xf32, #tpu.memory_space<hbm>> -> memref<139392x64xf32, #tpu.memory_space<hbm>>
        tpu.wait_indirect_dma semaphore(%arg12 : memref<!tpu.dma_semaphore, #tpu.memory_space<semaphore_mem>>) src(%dma_wait3A_224 : memref<139392x64xf32, #tpu.memory_space<hbm>>) dst(%arg8 : memref<128x64xf32, #tpu.memory_space<vmem>>)
        %broadcast_in_dim3A_225 = arith.constant 1.000000e+00 : f32
        %broadcast_in_dim3A_226 = vector.broadcast %broadcast_in_dim3A_225 : f32 to vector<16xf32>
        %scan3A_227 = arith.constant 0 : i32
        %scan3A_228 = arith.constant 8 : i32
        %scan3A_229 = arith.addi %scan3A_227, %scan3A_228 : i32
        %scan3A_230 = arith.constant 1 : i32
        %scan3A_231:8 = scf.for %scan3A_278 = %scan3A_227 to %scan3A_229 step %scan3A_230 iter_args(%scan3A_279 = %broadcast_in_dim3A_226, %scan3A_280 = %broadcast_in_dim3A_226, %scan3A_281 = %broadcast_in_dim3A_226, %scan3A_282 = %broadcast_in_dim3A_226, %scan3A_283 = %broadcast_in_dim3A_226, %scan3A_284 = %broadcast_in_dim3A_226, %scan3A_285 = %broadcast_in_dim3A_226, %scan3A_286 = %broadcast_in_dim3A_226) -> (vector<16xf32>, vector<16xf32>, vector<16xf32>, vector<16xf32>, vector<16xf32>, vector<16xf32>, vector<16xf32>, vector<16xf32>)  : i32 {
          %mul3A_287 = arith.constant 8 : i32
          %mul3A_288 = arith.muli %mul3A_287, %scan3A_278 : i32
          %add3A_289 = arith.constant 0 : i32
          %add3A_290 = arith.addi %add3A_289, %mul3A_288 : i32
          %add3A_291 = arith.constant 0 : i32
          %add3A_292 = arith.addi %add3A_290, %add3A_291 : i32
          %get3A = arith.index_cast %add3A_292 : i32 to index
          %get3A_293 = arith.constant 0 : index
          %get3A_294 = tpu.vector_load %arg8[%get3A, %get3A_293] {strides = array<i32>} : memref<128x64xf32, #tpu.memory_space<vmem>>, vector<16xf32>,
          %mul3A_295 = arith.mulf %scan3A_279, %get3A_294 : vector<16xf32>
          %get3A_296 = arith.index_cast %add3A_292 : i32 to index
          %get3A_297 = arith.constant 16 : index
          %get3A_298 = tpu.vector_load %arg8[%get3A_296, %get3A_297] {strides = array<i32>} : memref<128x64xf32, #tpu.memory_space<vmem>>, vector<16xf32>,
          %mul3A_299 = arith.mulf %scan3A_280, %get3A_298 : vector<16xf32>
          %get3A_300 = arith.index_cast %add3A_292 : i32 to index
          %get3A_301 = arith.constant 32 : index
          %get3A_302 = tpu.vector_load %arg8[%get3A_300, %get3A_301] {strides = array<i32>} : memref<128x64xf32, #tpu.memory_space<vmem>>, vector<16xf32>,
          %mul3A_303 = arith.mulf %scan3A_281, %get3A_302 : vector<16xf32>
          %get3A_304 = arith.index_cast %add3A_292 : i32 to index
          %get3A_305 = arith.constant 48 : index
          %get3A_306 = tpu.vector_load %arg8[%get3A_304, %get3A_305] {strides = array<i32>} : memref<128x64xf32, #tpu.memory_space<vmem>>, vector<16xf32>,
          %mul3A_307 = arith.mulf %scan3A_282, %get3A_306 : vector<16xf32>
          %mul3A_308 = arith.constant 8 : i32
          %mul3A_309 = arith.muli %mul3A_308, %scan3A_278 : i32
          %add3A_310 = arith.constant 0 : i32
          %add3A_311 = arith.addi %add3A_310, %mul3A_309 : i32
          %add3A_312 = arith.constant 1 : i32
          %add3A_313 = arith.addi %add3A_311, %add3A_312 : i32
          %get3A_314 = arith.index_cast %add3A_313 : i32 to index
          %get3A_315 = arith.constant 0 : index
          %get3A_316 = tpu.vector_load %arg8[%get3A_314, %get3A_315] {strides = array<i32>} : memref<128x64xf32, #tpu.memory_space<vmem>>, vector<16xf32>,
          %mul3A_317 = arith.mulf %scan3A_283, %get3A_316 : vector<16xf32>
          %get3A_318 = arith.index_cast %add3A_313 : i32 to index
          %get3A_319 = arith.constant 16 : index
          %get3A_320 = tpu.vector_load %arg8[%get3A_318, %get3A_319] {strides = array<i32>} : memref<128x64xf32, #tpu.memory_space<vmem>>, vector<16xf32>,
          %mul3A_321 = arith.mulf %scan3A_284, %get3A_320 : vector<16xf32>
          %get3A_322 = arith.index_cast %add3A_313 : i32 to index
          %get3A_323 = arith.constant 32 : index
          %get3A_324 = tpu.vector_load %arg8[%get3A_322, %get3A_323] {strides = array<i32>} : memref<128x64xf32, #tpu.memory_space<vmem>>, vector<16xf32>,
          %mul3A_325 = arith.mulf %scan3A_285, %get3A_324 : vector<16xf32>
          %get3A_326 = arith.index_cast %add3A_313 : i32 to index
          %get3A_327 = arith.constant 48 : index
          %get3A_328 = tpu.vector_load %arg8[%get3A_326, %get3A_327] {strides = array<i32>} : memref<128x64xf32, #tpu.memory_space<vmem>>, vector<16xf32>,
          %mul3A_329 = arith.mulf %scan3A_286, %get3A_328 : vector<16xf32>
          %mul3A_330 = arith.constant 8 : i32
          %mul3A_331 = arith.muli %mul3A_330, %scan3A_278 : i32
          %add3A_332 = arith.constant 0 : i32
          %add3A_333 = arith.addi %add3A_332, %mul3A_331 : i32
          %add3A_334 = arith.constant 2 : i32
          %add3A_335 = arith.addi %add3A_333, %add3A_334 : i32
          %get3A_336 = arith.index_cast %add3A_335 : i32 to index
          %get3A_337 = arith.constant 0 : index
          %get3A_338 = tpu.vector_load %arg8[%get3A_336, %get3A_337] {strides = array<i32>} : memref<128x64xf32, #tpu.memory_space<vmem>>, vector<16xf32>,
          %mul3A_339 = arith.mulf %mul3A_295, %get3A_338 : vector<16xf32>
          %get3A_340 = arith.index_cast %add3A_335 : i32 to index
          %get3A_341 = arith.constant 16 : index
          %get3A_342 = tpu.vector_load %arg8[%get3A_340, %get3A_341] {strides = array<i32>} : memref<128x64xf32, #tpu.memory_space<vmem>>, vector<16xf32>,
          %mul3A_343 = arith.mulf %mul3A_299, %get3A_342 : vector<16xf32>
          %get3A_344 = arith.index_cast %add3A_335 : i32 to index
          %get3A_345 = arith.constant 32 : index
          %get3A_346 = tpu.vector_load %arg8[%get3A_344, %get3A_345] {strides = array<i32>} : memref<128x64xf32, #tpu.memory_space<vmem>>, vector<16xf32>,
          %mul3A_347 = arith.mulf %mul3A_303, %get3A_346 : vector<16xf32>
          %get3A_348 = arith.index_cast %add3A_335 : i32 to index
          %get3A_349 = arith.constant 48 : index
          %get3A_350 = tpu.vector_load %arg8[%get3A_348, %get3A_349] {strides = array<i32>} : memref<128x64xf32, #tpu.memory_space<vmem>>, vector<16xf32>,
          %mul3A_351 = arith.mulf %mul3A_307, %get3A_350 : vector<16xf32>
          %mul3A_352 = arith.constant 8 : i32
          %mul3A_353 = arith.muli %mul3A_352, %scan3A_278 : i32
          %add3A_354 = arith.constant 0 : i32
          %add3A_355 = arith.addi %add3A_354, %mul3A_353 : i32
          %add3A_356 = arith.constant 3 : i32
          %add3A_357 = arith.addi %add3A_355, %add3A_356 : i32
          %get3A_358 = arith.index_cast %add3A_357 : i32 to index
          %get3A_359 = arith.constant 0 : index
          %get3A_360 = tpu.vector_load %arg8[%get3A_358, %get3A_359] {strides = array<i32>} : memref<128x64xf32, #tpu.memory_space<vmem>>, vector<16xf32>,
          %mul3A_361 = arith.mulf %mul3A_317, %get3A_360 : vector<16xf32>
          %get3A_362 = arith.index_cast %add3A_357 : i32 to index
          %get3A_363 = arith.constant 16 : index
          %get3A_364 = tpu.vector_load %arg8[%get3A_362, %get3A_363] {strides = array<i32>} : memref<128x64xf32, #tpu.memory_space<vmem>>, vector<16xf32>,
          %mul3A_365 = arith.mulf %mul3A_321, %get3A_364 : vector<16xf32>
          %get3A_366 = arith.index_cast %add3A_357 : i32 to index
          %get3A_367 = arith.constant 32 : index
          %get3A_368 = tpu.vector_load %arg8[%get3A_366, %get3A_367] {strides = array<i32>} : memref<128x64xf32, #tpu.memory_space<vmem>>, vector<16xf32>,
          %mul3A_369 = arith.mulf %mul3A_325, %get3A_368 : vector<16xf32>
          %get3A_370 = arith.index_cast %add3A_357 : i32 to index
          %get3A_371 = arith.constant 48 : index
          %get3A_372 = tpu.vector_load %arg8[%get3A_370, %get3A_371] {strides = array<i32>} : memref<128x64xf32, #tpu.memory_space<vmem>>, vector<16xf32>,
          %mul3A_373 = arith.mulf %mul3A_329, %get3A_372 : vector<16xf32>
          %mul3A_374 = arith.constant 8 : i32
          %mul3A_375 = arith.muli %mul3A_374, %scan3A_278 : i32
          %add3A_376 = arith.constant 0 : i32
          %add3A_377 = arith.addi %add3A_376, %mul3A_375 : i32
          %add3A_378 = arith.constant 4 : i32
          %add3A_379 = arith.addi %add3A_377, %add3A_378 : i32
          %get3A_380 = arith.index_cast %add3A_379 : i32 to index
          %get3A_381 = arith.constant 0 : index
          %get3A_382 = tpu.vector_load %arg8[%get3A_380, %get3A_381] {strides = array<i32>} : memref<128x64xf32, #tpu.memory_space<vmem>>, vector<16xf32>,
          %mul3A_383 = arith.mulf %mul3A_339, %get3A_382 : vector<16xf32>
          %get3A_384 = arith.index_cast %add3A_379 : i32 to index
          %get3A_385 = arith.constant 16 : index
          %get3A_386 = tpu.vector_load %arg8[%get3A_384, %get3A_385] {strides = array<i32>} : memref<128x64xf32, #tpu.memory_space<vmem>>, vector<16xf32>,
          %mul3A_387 = arith.mulf %mul3A_343, %get3A_386 : vector<16xf32>
          %get3A_388 = arith.index_cast %add3A_379 : i32 to index
          %get3A_389 = arith.constant 32 : index
          %get3A_390 = tpu.vector_load %arg8[%get3A_388, %get3A_389] {strides = array<i32>} : memref<128x64xf32, #tpu.memory_space<vmem>>, vector<16xf32>,
          %mul3A_391 = arith.mulf %mul3A_347, %get3A_390 : vector<16xf32>
          %get3A_392 = arith.index_cast %add3A_379 : i32 to index
          %get3A_393 = arith.constant 48 : index
          %get3A_394 = tpu.vector_load %arg8[%get3A_392, %get3A_393] {strides = array<i32>} : memref<128x64xf32, #tpu.memory_space<vmem>>, vector<16xf32>,
          %mul3A_395 = arith.mulf %mul3A_351, %get3A_394 : vector<16xf32>
          %mul3A_396 = arith.constant 8 : i32
          %mul3A_397 = arith.muli %mul3A_396, %scan3A_278 : i32
          %add3A_398 = arith.constant 0 : i32
          %add3A_399 = arith.addi %add3A_398, %mul3A_397 : i32
          %add3A_400 = arith.constant 5 : i32
          %add3A_401 = arith.addi %add3A_399, %add3A_400 : i32
          %get3A_402 = arith.index_cast %add3A_401 : i32 to index
          %get3A_403 = arith.constant 0 : index
          %get3A_404 = tpu.vector_load %arg8[%get3A_402, %get3A_403] {strides = array<i32>} : memref<128x64xf32, #tpu.memory_space<vmem>>, vector<16xf32>,
          %mul3A_405 = arith.mulf %mul3A_361, %get3A_404 : vector<16xf32>
          %get3A_406 = arith.index_cast %add3A_401 : i32 to index
          %get3A_407 = arith.constant 16 : index
          %get3A_408 = tpu.vector_load %arg8[%get3A_406, %get3A_407] {strides = array<i32>} : memref<128x64xf32, #tpu.memory_space<vmem>>, vector<16xf32>,
          %mul3A_409 = arith.mulf %mul3A_365, %get3A_408 : vector<16xf32>
          %get3A_410 = arith.index_cast %add3A_401 : i32 to index
          %get3A_411 = arith.constant 32 : index
          %get3A_412 = tpu.vector_load %arg8[%get3A_410, %get3A_411] {strides = array<i32>} : memref<128x64xf32, #tpu.memory_space<vmem>>, vector<16xf32>,
          %mul3A_413 = arith.mulf %mul3A_369, %get3A_412 : vector<16xf32>
          %get3A_414 = arith.index_cast %add3A_401 : i32 to index
          %get3A_415 = arith.constant 48 : index
          %get3A_416 = tpu.vector_load %arg8[%get3A_414, %get3A_415] {strides = array<i32>} : memref<128x64xf32, #tpu.memory_space<vmem>>, vector<16xf32>,
          %mul3A_417 = arith.mulf %mul3A_373, %get3A_416 : vector<16xf32>
          %mul3A_418 = arith.constant 8 : i32
          %mul3A_419 = arith.muli %mul3A_418, %scan3A_278 : i32
          %add3A_420 = arith.constant 0 : i32
          %add3A_421 = arith.addi %add3A_420, %mul3A_419 : i32
          %add3A_422 = arith.constant 6 : i32
          %add3A_423 = arith.addi %add3A_421, %add3A_422 : i32
          %get3A_424 = arith.index_cast %add3A_423 : i32 to index
          %get3A_425 = arith.constant 0 : index
          %get3A_426 = tpu.vector_load %arg8[%get3A_424, %get3A_425] {strides = array<i32>} : memref<128x64xf32, #tpu.memory_space<vmem>>, vector<16xf32>,
          %mul3A_427 = arith.mulf %mul3A_383, %get3A_426 : vector<16xf32>
          %get3A_428 = arith.index_cast %add3A_423 : i32 to index
          %get3A_429 = arith.constant 16 : index
          %get3A_430 = tpu.vector_load %arg8[%get3A_428, %get3A_429] {strides = array<i32>} : memref<128x64xf32, #tpu.memory_space<vmem>>, vector<16xf32>,
          %mul3A_431 = arith.mulf %mul3A_387, %get3A_430 : vector<16xf32>
          %get3A_432 = arith.index_cast %add3A_423 : i32 to index
          %get3A_433 = arith.constant 32 : index
          %get3A_434 = tpu.vector_load %arg8[%get3A_432, %get3A_433] {strides = array<i32>} : memref<128x64xf32, #tpu.memory_space<vmem>>, vector<16xf32>,
          %mul3A_435 = arith.mulf %mul3A_391, %get3A_434 : vector<16xf32>
          %get3A_436 = arith.index_cast %add3A_423 : i32 to index
          %get3A_437 = arith.constant 48 : index
          %get3A_438 = tpu.vector_load %arg8[%get3A_436, %get3A_437] {strides = array<i32>} : memref<128x64xf32, #tpu.memory_space<vmem>>, vector<16xf32>,
          %mul3A_439 = arith.mulf %mul3A_395, %get3A_438 : vector<16xf32>
          %mul3A_440 = arith.constant 8 : i32
          %mul3A_441 = arith.muli %mul3A_440, %scan3A_278 : i32
          %add3A_442 = arith.constant 0 : i32
          %add3A_443 = arith.addi %add3A_442, %mul3A_441 : i32
          %add3A_444 = arith.constant 7 : i32
          %add3A_445 = arith.addi %add3A_443, %add3A_444 : i32
          %get3A_446 = arith.index_cast %add3A_445 : i32 to index
          %get3A_447 = arith.constant 0 : index
          %get3A_448 = tpu.vector_load %arg8[%get3A_446, %get3A_447] {strides = array<i32>} : memref<128x64xf32, #tpu.memory_space<vmem>>, vector<16xf32>,
          %mul3A_449 = arith.mulf %mul3A_405, %get3A_448 : vector<16xf32>
          %get3A_450 = arith.index_cast %add3A_445 : i32 to index
          %get3A_451 = arith.constant 16 : index
          %get3A_452 = tpu.vector_load %arg8[%get3A_450, %get3A_451] {strides = array<i32>} : memref<128x64xf32, #tpu.memory_space<vmem>>, vector<16xf32>,
          %mul3A_453 = arith.mulf %mul3A_409, %get3A_452 : vector<16xf32>
          %get3A_454 = arith.index_cast %add3A_445 : i32 to index
          %get3A_455 = arith.constant 32 : index
          %get3A_456 = tpu.vector_load %arg8[%get3A_454, %get3A_455] {strides = array<i32>} : memref<128x64xf32, #tpu.memory_space<vmem>>, vector<16xf32>,
          %mul3A_457 = arith.mulf %mul3A_413, %get3A_456 : vector<16xf32>
          %get3A_458 = arith.index_cast %add3A_445 : i32 to index
          %get3A_459 = arith.constant 48 : index
          %get3A_460 = tpu.vector_load %arg8[%get3A_458, %get3A_459] {strides = array<i32>} : memref<128x64xf32, #tpu.memory_space<vmem>>, vector<16xf32>,
          %mul3A_461 = arith.mulf %mul3A_417, %get3A_460 : vector<16xf32>
          scf.yield %mul3A_427, %mul3A_431, %mul3A_435, %mul3A_439, %mul3A_449, %mul3A_453, %mul3A_457, %mul3A_461 : vector<16xf32>, vector<16xf32>, vector<16xf32>, vector<16xf32>, vector<16xf32>, vector<16xf32>, vector<16xf32>, vector<16xf32>
        }
        %scan3A_232 = arith.constant 8 : i32
        %mul3A_233 = arith.mulf %scan3A_231#0, %scan3A_231#4 : vector<16xf32>
        %mul3A_234 = arith.mulf %scan3A_231#1, %scan3A_231#5 : vector<16xf32>
        %add3A_235 = arith.addf %mul3A_233, %mul3A_234 : vector<16xf32>
        %mul3A_236 = arith.mulf %scan3A_231#2, %scan3A_231#6 : vector<16xf32>
        %add3A_237 = arith.addf %add3A_235, %mul3A_236 : vector<16xf32>
        %mul3A_238 = arith.mulf %scan3A_231#3, %scan3A_231#7 : vector<16xf32>
        %add3A_239 = arith.addf %add3A_237, %mul3A_238 : vector<16xf32>
        %broadcast_in_dim3A_240 = arith.constant 1.000000e+00 : f32
        %broadcast_in_dim3A_241 = vector.broadcast %broadcast_in_dim3A_240 : f32 to vector<16xf32>
        %scan3A_242 = arith.constant 0 : i32
        %scan3A_243 = arith.constant 8 : i32
        %scan3A_244 = arith.addi %scan3A_242, %scan3A_243 : i32
        %scan3A_245 = arith.constant 1 : i32
        %scan3A_246:8 = scf.for %scan3A_278 = %scan3A_242 to %scan3A_244 step %scan3A_245 iter_args(%scan3A_279 = %broadcast_in_dim3A_241, %scan3A_280 = %broadcast_in_dim3A_241, %scan3A_281 = %broadcast_in_dim3A_241, %scan3A_282 = %broadcast_in_dim3A_241, %scan3A_283 = %broadcast_in_dim3A_241, %scan3A_284 = %broadcast_in_dim3A_241, %scan3A_285 = %broadcast_in_dim3A_241, %scan3A_286 = %broadcast_in_dim3A_241) -> (vector<16xf32>, vector<16xf32>, vector<16xf32>, vector<16xf32>, vector<16xf32>, vector<16xf32>, vector<16xf32>, vector<16xf32>)  : i32 {
          %mul3A_287 = arith.constant 8 : i32
          %mul3A_288 = arith.muli %mul3A_287, %scan3A_278 : i32
          %add3A_289 = arith.constant 64 : i32
          %add3A_290 = arith.addi %add3A_289, %mul3A_288 : i32
          %add3A_291 = arith.constant 0 : i32
          %add3A_292 = arith.addi %add3A_290, %add3A_291 : i32
          %get3A = arith.index_cast %add3A_292 : i32 to index
          %get3A_293 = arith.constant 0 : index
          %get3A_294 = tpu.vector_load %arg8[%get3A, %get3A_293] {strides = array<i32>} : memref<128x64xf32, #tpu.memory_space<vmem>>, vector<16xf32>,
          %mul3A_295 = arith.mulf %scan3A_279, %get3A_294 : vector<16xf32>
          %get3A_296 = arith.index_cast %add3A_292 : i32 to index
          %get3A_297 = arith.constant 16 : index
          %get3A_298 = tpu.vector_load %arg8[%get3A_296, %get3A_297] {strides = array<i32>} : memref<128x64xf32, #tpu.memory_space<vmem>>, vector<16xf32>,
          %mul3A_299 = arith.mulf %scan3A_280, %get3A_298 : vector<16xf32>
          %get3A_300 = arith.index_cast %add3A_292 : i32 to index
          %get3A_301 = arith.constant 32 : index
          %get3A_302 = tpu.vector_load %arg8[%get3A_300, %get3A_301] {strides = array<i32>} : memref<128x64xf32, #tpu.memory_space<vmem>>, vector<16xf32>,
          %mul3A_303 = arith.mulf %scan3A_281, %get3A_302 : vector<16xf32>
          %get3A_304 = arith.index_cast %add3A_292 : i32 to index
          %get3A_305 = arith.constant 48 : index
          %get3A_306 = tpu.vector_load %arg8[%get3A_304, %get3A_305] {strides = array<i32>} : memref<128x64xf32, #tpu.memory_space<vmem>>, vector<16xf32>,
          %mul3A_307 = arith.mulf %scan3A_282, %get3A_306 : vector<16xf32>
          %mul3A_308 = arith.constant 8 : i32
          %mul3A_309 = arith.muli %mul3A_308, %scan3A_278 : i32
          %add3A_310 = arith.constant 64 : i32
          %add3A_311 = arith.addi %add3A_310, %mul3A_309 : i32
          %add3A_312 = arith.constant 1 : i32
          %add3A_313 = arith.addi %add3A_311, %add3A_312 : i32
          %get3A_314 = arith.index_cast %add3A_313 : i32 to index
          %get3A_315 = arith.constant 0 : index
          %get3A_316 = tpu.vector_load %arg8[%get3A_314, %get3A_315] {strides = array<i32>} : memref<128x64xf32, #tpu.memory_space<vmem>>, vector<16xf32>,
          %mul3A_317 = arith.mulf %scan3A_283, %get3A_316 : vector<16xf32>
          %get3A_318 = arith.index_cast %add3A_313 : i32 to index
          %get3A_319 = arith.constant 16 : index
          %get3A_320 = tpu.vector_load %arg8[%get3A_318, %get3A_319] {strides = array<i32>} : memref<128x64xf32, #tpu.memory_space<vmem>>, vector<16xf32>,
          %mul3A_321 = arith.mulf %scan3A_284, %get3A_320 : vector<16xf32>
          %get3A_322 = arith.index_cast %add3A_313 : i32 to index
          %get3A_323 = arith.constant 32 : index
          %get3A_324 = tpu.vector_load %arg8[%get3A_322, %get3A_323] {strides = array<i32>} : memref<128x64xf32, #tpu.memory_space<vmem>>, vector<16xf32>,
          %mul3A_325 = arith.mulf %scan3A_285, %get3A_324 : vector<16xf32>
          %get3A_326 = arith.index_cast %add3A_313 : i32 to index
          %get3A_327 = arith.constant 48 : index
          %get3A_328 = tpu.vector_load %arg8[%get3A_326, %get3A_327] {strides = array<i32>} : memref<128x64xf32, #tpu.memory_space<vmem>>, vector<16xf32>,
          %mul3A_329 = arith.mulf %scan3A_286, %get3A_328 : vector<16xf32>
          %mul3A_330 = arith.constant 8 : i32
          %mul3A_331 = arith.muli %mul3A_330, %scan3A_278 : i32
          %add3A_332 = arith.constant 64 : i32
          %add3A_333 = arith.addi %add3A_332, %mul3A_331 : i32
          %add3A_334 = arith.constant 2 : i32
          %add3A_335 = arith.addi %add3A_333, %add3A_334 : i32
          %get3A_336 = arith.index_cast %add3A_335 : i32 to index
          %get3A_337 = arith.constant 0 : index
          %get3A_338 = tpu.vector_load %arg8[%get3A_336, %get3A_337] {strides = array<i32>} : memref<128x64xf32, #tpu.memory_space<vmem>>, vector<16xf32>,
          %mul3A_339 = arith.mulf %mul3A_295, %get3A_338 : vector<16xf32>
          %get3A_340 = arith.index_cast %add3A_335 : i32 to index
          %get3A_341 = arith.constant 16 : index
          %get3A_342 = tpu.vector_load %arg8[%get3A_340, %get3A_341] {strides = array<i32>} : memref<128x64xf32, #tpu.memory_space<vmem>>, vector<16xf32>,
          %mul3A_343 = arith.mulf %mul3A_299, %get3A_342 : vector<16xf32>
          %get3A_344 = arith.index_cast %add3A_335 : i32 to index
          %get3A_345 = arith.constant 32 : index
          %get3A_346 = tpu.vector_load %arg8[%get3A_344, %get3A_345] {strides = array<i32>} : memref<128x64xf32, #tpu.memory_space<vmem>>, vector<16xf32>,
          %mul3A_347 = arith.mulf %mul3A_303, %get3A_346 : vector<16xf32>
          %get3A_348 = arith.index_cast %add3A_335 : i32 to index
          %get3A_349 = arith.constant 48 : index
          %get3A_350 = tpu.vector_load %arg8[%get3A_348, %get3A_349] {strides = array<i32>} : memref<128x64xf32, #tpu.memory_space<vmem>>, vector<16xf32>,
          %mul3A_351 = arith.mulf %mul3A_307, %get3A_350 : vector<16xf32>
          %mul3A_352 = arith.constant 8 : i32
          %mul3A_353 = arith.muli %mul3A_352, %scan3A_278 : i32
          %add3A_354 = arith.constant 64 : i32
          %add3A_355 = arith.addi %add3A_354, %mul3A_353 : i32
          %add3A_356 = arith.constant 3 : i32
          %add3A_357 = arith.addi %add3A_355, %add3A_356 : i32
          %get3A_358 = arith.index_cast %add3A_357 : i32 to index
          %get3A_359 = arith.constant 0 : index
          %get3A_360 = tpu.vector_load %arg8[%get3A_358, %get3A_359] {strides = array<i32>} : memref<128x64xf32, #tpu.memory_space<vmem>>, vector<16xf32>,
          %mul3A_361 = arith.mulf %mul3A_317, %get3A_360 : vector<16xf32>
          %get3A_362 = arith.index_cast %add3A_357 : i32 to index
          %get3A_363 = arith.constant 16 : index
          %get3A_364 = tpu.vector_load %arg8[%get3A_362, %get3A_363] {strides = array<i32>} : memref<128x64xf32, #tpu.memory_space<vmem>>, vector<16xf32>,
          %mul3A_365 = arith.mulf %mul3A_321, %get3A_364 : vector<16xf32>
          %get3A_366 = arith.index_cast %add3A_357 : i32 to index
          %get3A_367 = arith.constant 32 : index
          %get3A_368 = tpu.vector_load %arg8[%get3A_366, %get3A_367] {strides = array<i32>} : memref<128x64xf32, #tpu.memory_space<vmem>>, vector<16xf32>,
          %mul3A_369 = arith.mulf %mul3A_325, %get3A_368 : vector<16xf32>
          %get3A_370 = arith.index_cast %add3A_357 : i32 to index
          %get3A_371 = arith.constant 48 : index
          %get3A_372 = tpu.vector_load %arg8[%get3A_370, %get3A_371] {strides = array<i32>} : memref<128x64xf32, #tpu.memory_space<vmem>>, vector<16xf32>,
          %mul3A_373 = arith.mulf %mul3A_329, %get3A_372 : vector<16xf32>
          %mul3A_374 = arith.constant 8 : i32
          %mul3A_375 = arith.muli %mul3A_374, %scan3A_278 : i32
          %add3A_376 = arith.constant 64 : i32
          %add3A_377 = arith.addi %add3A_376, %mul3A_375 : i32
          %add3A_378 = arith.constant 4 : i32
          %add3A_379 = arith.addi %add3A_377, %add3A_378 : i32
          %get3A_380 = arith.index_cast %add3A_379 : i32 to index
          %get3A_381 = arith.constant 0 : index
          %get3A_382 = tpu.vector_load %arg8[%get3A_380, %get3A_381] {strides = array<i32>} : memref<128x64xf32, #tpu.memory_space<vmem>>, vector<16xf32>,
          %mul3A_383 = arith.mulf %mul3A_339, %get3A_382 : vector<16xf32>
          %get3A_384 = arith.index_cast %add3A_379 : i32 to index
          %get3A_385 = arith.constant 16 : index
          %get3A_386 = tpu.vector_load %arg8[%get3A_384, %get3A_385] {strides = array<i32>} : memref<128x64xf32, #tpu.memory_space<vmem>>, vector<16xf32>,
          %mul3A_387 = arith.mulf %mul3A_343, %get3A_386 : vector<16xf32>
          %get3A_388 = arith.index_cast %add3A_379 : i32 to index
          %get3A_389 = arith.constant 32 : index
          %get3A_390 = tpu.vector_load %arg8[%get3A_388, %get3A_389] {strides = array<i32>} : memref<128x64xf32, #tpu.memory_space<vmem>>, vector<16xf32>,
          %mul3A_391 = arith.mulf %mul3A_347, %get3A_390 : vector<16xf32>
          %get3A_392 = arith.index_cast %add3A_379 : i32 to index
          %get3A_393 = arith.constant 48 : index
          %get3A_394 = tpu.vector_load %arg8[%get3A_392, %get3A_393] {strides = array<i32>} : memref<128x64xf32, #tpu.memory_space<vmem>>, vector<16xf32>,
          %mul3A_395 = arith.mulf %mul3A_351, %get3A_394 : vector<16xf32>
          %mul3A_396 = arith.constant 8 : i32
          %mul3A_397 = arith.muli %mul3A_396, %scan3A_278 : i32
          %add3A_398 = arith.constant 64 : i32
          %add3A_399 = arith.addi %add3A_398, %mul3A_397 : i32
          %add3A_400 = arith.constant 5 : i32
          %add3A_401 = arith.addi %add3A_399, %add3A_400 : i32
          %get3A_402 = arith.index_cast %add3A_401 : i32 to index
          %get3A_403 = arith.constant 0 : index
          %get3A_404 = tpu.vector_load %arg8[%get3A_402, %get3A_403] {strides = array<i32>} : memref<128x64xf32, #tpu.memory_space<vmem>>, vector<16xf32>,
          %mul3A_405 = arith.mulf %mul3A_361, %get3A_404 : vector<16xf32>
          %get3A_406 = arith.index_cast %add3A_401 : i32 to index
          %get3A_407 = arith.constant 16 : index
          %get3A_408 = tpu.vector_load %arg8[%get3A_406, %get3A_407] {strides = array<i32>} : memref<128x64xf32, #tpu.memory_space<vmem>>, vector<16xf32>,
          %mul3A_409 = arith.mulf %mul3A_365, %get3A_408 : vector<16xf32>
          %get3A_410 = arith.index_cast %add3A_401 : i32 to index
          %get3A_411 = arith.constant 32 : index
          %get3A_412 = tpu.vector_load %arg8[%get3A_410, %get3A_411] {strides = array<i32>} : memref<128x64xf32, #tpu.memory_space<vmem>>, vector<16xf32>,
          %mul3A_413 = arith.mulf %mul3A_369, %get3A_412 : vector<16xf32>
          %get3A_414 = arith.index_cast %add3A_401 : i32 to index
          %get3A_415 = arith.constant 48 : index
          %get3A_416 = tpu.vector_load %arg8[%get3A_414, %get3A_415] {strides = array<i32>} : memref<128x64xf32, #tpu.memory_space<vmem>>, vector<16xf32>,
          %mul3A_417 = arith.mulf %mul3A_373, %get3A_416 : vector<16xf32>
          %mul3A_418 = arith.constant 8 : i32
          %mul3A_419 = arith.muli %mul3A_418, %scan3A_278 : i32
          %add3A_420 = arith.constant 64 : i32
          %add3A_421 = arith.addi %add3A_420, %mul3A_419 : i32
          %add3A_422 = arith.constant 6 : i32
          %add3A_423 = arith.addi %add3A_421, %add3A_422 : i32
          %get3A_424 = arith.index_cast %add3A_423 : i32 to index
          %get3A_425 = arith.constant 0 : index
          %get3A_426 = tpu.vector_load %arg8[%get3A_424, %get3A_425] {strides = array<i32>} : memref<128x64xf32, #tpu.memory_space<vmem>>, vector<16xf32>,
          %mul3A_427 = arith.mulf %mul3A_383, %get3A_426 : vector<16xf32>
          %get3A_428 = arith.index_cast %add3A_423 : i32 to index
          %get3A_429 = arith.constant 16 : index
          %get3A_430 = tpu.vector_load %arg8[%get3A_428, %get3A_429] {strides = array<i32>} : memref<128x64xf32, #tpu.memory_space<vmem>>, vector<16xf32>,
          %mul3A_431 = arith.mulf %mul3A_387, %get3A_430 : vector<16xf32>
          %get3A_432 = arith.index_cast %add3A_423 : i32 to index
          %get3A_433 = arith.constant 32 : index
          %get3A_434 = tpu.vector_load %arg8[%get3A_432, %get3A_433] {strides = array<i32>} : memref<128x64xf32, #tpu.memory_space<vmem>>, vector<16xf32>,
          %mul3A_435 = arith.mulf %mul3A_391, %get3A_434 : vector<16xf32>
          %get3A_436 = arith.index_cast %add3A_423 : i32 to index
          %get3A_437 = arith.constant 48 : index
          %get3A_438 = tpu.vector_load %arg8[%get3A_436, %get3A_437] {strides = array<i32>} : memref<128x64xf32, #tpu.memory_space<vmem>>, vector<16xf32>,
          %mul3A_439 = arith.mulf %mul3A_395, %get3A_438 : vector<16xf32>
          %mul3A_440 = arith.constant 8 : i32
          %mul3A_441 = arith.muli %mul3A_440, %scan3A_278 : i32
          %add3A_442 = arith.constant 64 : i32
          %add3A_443 = arith.addi %add3A_442, %mul3A_441 : i32
          %add3A_444 = arith.constant 7 : i32
          %add3A_445 = arith.addi %add3A_443, %add3A_444 : i32
          %get3A_446 = arith.index_cast %add3A_445 : i32 to index
          %get3A_447 = arith.constant 0 : index
          %get3A_448 = tpu.vector_load %arg8[%get3A_446, %get3A_447] {strides = array<i32>} : memref<128x64xf32, #tpu.memory_space<vmem>>, vector<16xf32>,
          %mul3A_449 = arith.mulf %mul3A_405, %get3A_448 : vector<16xf32>
          %get3A_450 = arith.index_cast %add3A_445 : i32 to index
          %get3A_451 = arith.constant 16 : index
          %get3A_452 = tpu.vector_load %arg8[%get3A_450, %get3A_451] {strides = array<i32>} : memref<128x64xf32, #tpu.memory_space<vmem>>, vector<16xf32>,
          %mul3A_453 = arith.mulf %mul3A_409, %get3A_452 : vector<16xf32>
          %get3A_454 = arith.index_cast %add3A_445 : i32 to index
          %get3A_455 = arith.constant 32 : index
          %get3A_456 = tpu.vector_load %arg8[%get3A_454, %get3A_455] {strides = array<i32>} : memref<128x64xf32, #tpu.memory_space<vmem>>, vector<16xf32>,
          %mul3A_457 = arith.mulf %mul3A_413, %get3A_456 : vector<16xf32>
          %get3A_458 = arith.index_cast %add3A_445 : i32 to index
          %get3A_459 = arith.constant 48 : index
          %get3A_460 = tpu.vector_load %arg8[%get3A_458, %get3A_459] {strides = array<i32>} : memref<128x64xf32, #tpu.memory_space<vmem>>, vector<16xf32>,
          %mul3A_461 = arith.mulf %mul3A_417, %get3A_460 : vector<16xf32>
          scf.yield %mul3A_427, %mul3A_431, %mul3A_435, %mul3A_439, %mul3A_449, %mul3A_453, %mul3A_457, %mul3A_461 : vector<16xf32>, vector<16xf32>, vector<16xf32>, vector<16xf32>, vector<16xf32>, vector<16xf32>, vector<16xf32>, vector<16xf32>
        }
        %scan3A_247 = arith.constant 8 : i32
        %mul3A_248 = arith.mulf %scan3A_246#0, %scan3A_246#4 : vector<16xf32>
        %mul3A_249 = arith.mulf %scan3A_246#1, %scan3A_246#5 : vector<16xf32>
        %add3A_250 = arith.addf %mul3A_248, %mul3A_249 : vector<16xf32>
        %mul3A_251 = arith.mulf %scan3A_246#2, %scan3A_246#6 : vector<16xf32>
        %add3A_252 = arith.addf %add3A_250, %mul3A_251 : vector<16xf32>
        %mul3A_253 = arith.mulf %scan3A_246#3, %scan3A_246#7 : vector<16xf32>
        %add3A_254 = arith.addf %add3A_252, %mul3A_253 : vector<16xf32>
        %mul3A_255 = arith.constant 16 : i32
        %mul3A_256 = arith.muli %mul3A_171, %mul3A_255 : i32
        %swap3A_257 = arith.index_cast %mul3A_256 : i32 to index
        %swap3A_258 = tpu.vector_load %arg9[%swap3A_257] {strides = array<i32>} : memref<256xf32, #tpu.memory_space<vmem>>, vector<16xf32>,
        tpu.vector_store %arg9[%swap3A_257], %add3A_199 {strides = array<i32>} : memref<256xf32, #tpu.memory_space<vmem>>, vector<16xf32>,
        %add3A_259 = arith.constant 1 : i32
        %add3A_260 = arith.addi %mul3A_171, %add3A_259 : i32
        %mul3A_261 = arith.constant 16 : i32
        %mul3A_262 = arith.muli %add3A_260, %mul3A_261 : i32
        %swap3A_263 = arith.index_cast %mul3A_262 : i32 to index
        %swap3A_264 = tpu.vector_load %arg9[%swap3A_263] {strides = array<i32>} : memref<256xf32, #tpu.memory_space<vmem>>, vector<16xf32>,
        tpu.vector_store %arg9[%swap3A_263], %add3A_214 {strides = array<i32>} : memref<256xf32, #tpu.memory_space<vmem>>, vector<16xf32>,
        %add3A_265 = arith.constant 2 : i32
        %add3A_266 = arith.addi %mul3A_171, %add3A_265 : i32
        %mul3A_267 = arith.constant 16 : i32
        %mul3A_268 = arith.muli %add3A_266, %mul3A_267 : i32
        %swap3A_269 = arith.index_cast %mul3A_268 : i32 to index
        %swap3A_270 = tpu.vector_load %arg9[%swap3A_269] {strides = array<i32>} : memref<256xf32, #tpu.memory_space<vmem>>, vector<16xf32>,
        tpu.vector_store %arg9[%swap3A_269], %add3A_239 {strides = array<i32>} : memref<256xf32, #tpu.memory_space<vmem>>, vector<16xf32>,
        %add3A_271 = arith.constant 3 : i32
        %add3A_272 = arith.addi %mul3A_171, %add3A_271 : i32
        %mul3A_273 = arith.constant 16 : i32
        %mul3A_274 = arith.muli %add3A_272, %mul3A_273 : i32
        %swap3A_275 = arith.index_cast %mul3A_274 : i32 to index
        %swap3A_276 = tpu.vector_load %arg9[%swap3A_275] {strides = array<i32>} : memref<256xf32, #tpu.memory_space<vmem>>, vector<16xf32>,
        tpu.vector_store %arg9[%swap3A_275], %add3A_254 {strides = array<i32>} : memref<256xf32, #tpu.memory_space<vmem>>, vector<16xf32>,
        %scan3A_277 = arith.constant 0 : i32
        scf.yield %scan3A_277 : i32
      }
      %scan3A_30 = arith.constant 4 : i32
      %broadcast_in_dim3A = arith.constant 0.000000e+00 : f32
      %broadcast_in_dim3A_31 = vector.broadcast %broadcast_in_dim3A : f32 to vector<16xf32>
      %mul3A_32 = arith.constant 16 : i32
      %mul3A_33 = vector.broadcast %mul3A_32 : i32 to vector<16xi32>
      %mul3A_34 = arith.muli %iota3A, %mul3A_33 : vector<16xi32>
      %add3A_35 = arith.constant 0 : i32
      %add3A_36 = vector.broadcast %add3A_35 : i32 to vector<16xi32>
      %add3A_37 = arith.addi %mul3A_34, %add3A_36 : vector<16xi32>
      %gather3A = tpu.vector_load_idx %arg9[%add3A_37] : memref<256xf32, #tpu.memory_space<vmem>>[vector<16xi32>], vector<16xf32>,
      %add3A_38 = arith.addf %broadcast_in_dim3A_31, %gather3A : vector<16xf32>
      %mul3A_39 = arith.constant 16 : i32
      %mul3A_40 = vector.broadcast %mul3A_39 : i32 to vector<16xi32>
      %mul3A_41 = arith.muli %iota3A, %mul3A_40 : vector<16xi32>
      %add3A_42 = arith.constant 1 : i32
      %add3A_43 = vector.broadcast %add3A_42 : i32 to vector<16xi32>
      %add3A_44 = arith.addi %mul3A_41, %add3A_43 : vector<16xi32>
      %gather3A_45 = tpu.vector_load_idx %arg9[%add3A_44] : memref<256xf32, #tpu.memory_space<vmem>>[vector<16xi32>], vector<16xf32>,
      %add3A_46 = arith.addf %add3A_38, %gather3A_45 : vector<16xf32>
      %mul3A_47 = arith.constant 16 : i32
      %mul3A_48 = vector.broadcast %mul3A_47 : i32 to vector<16xi32>
      %mul3A_49 = arith.muli %iota3A, %mul3A_48 : vector<16xi32>
      %add3A_50 = arith.constant 2 : i32
      %add3A_51 = vector.broadcast %add3A_50 : i32 to vector<16xi32>
      %add3A_52 = arith.addi %mul3A_49, %add3A_51 : vector<16xi32>
      %gather3A_53 = tpu.vector_load_idx %arg9[%add3A_52] : memref<256xf32, #tpu.memory_space<vmem>>[vector<16xi32>], vector<16xf32>,
      %add3A_54 = arith.addf %add3A_46, %gather3A_53 : vector<16xf32>
      %mul3A_55 = arith.constant 16 : i32
      %mul3A_56 = vector.broadcast %mul3A_55 : i32 to vector<16xi32>
      %mul3A_57 = arith.muli %iota3A, %mul3A_56 : vector<16xi32>
      %add3A_58 = arith.constant 3 : i32
      %add3A_59 = vector.broadcast %add3A_58 : i32 to vector<16xi32>
      %add3A_60 = arith.addi %mul3A_57, %add3A_59 : vector<16xi32>
      %gather3A_61 = tpu.vector_load_idx %arg9[%add3A_60] : memref<256xf32, #tpu.memory_space<vmem>>[vector<16xi32>], vector<16xf32>,
      %add3A_62 = arith.addf %add3A_54, %gather3A_61 : vector<16xf32>
      %mul3A_63 = arith.constant 16 : i32
      %mul3A_64 = vector.broadcast %mul3A_63 : i32 to vector<16xi32>
      %mul3A_65 = arith.muli %iota3A, %mul3A_64 : vector<16xi32>
      %add3A_66 = arith.constant 4 : i32
      %add3A_67 = vector.broadcast %add3A_66 : i32 to vector<16xi32>
      %add3A_68 = arith.addi %mul3A_65, %add3A_67 : vector<16xi32>
      %gather3A_69 = tpu.vector_load_idx %arg9[%add3A_68] : memref<256xf32, #tpu.memory_space<vmem>>[vector<16xi32>], vector<16xf32>,
      %add3A_70 = arith.addf %add3A_62, %gather3A_69 : vector<16xf32>
      %mul3A_71 = arith.constant 16 : i32
      %mul3A_72 = vector.broadcast %mul3A_71 : i32 to vector<16xi32>
      %mul3A_73 = arith.muli %iota3A, %mul3A_72 : vector<16xi32>
      %add3A_74 = arith.constant 5 : i32
      %add3A_75 = vector.broadcast %add3A_74 : i32 to vector<16xi32>
      %add3A_76 = arith.addi %mul3A_73, %add3A_75 : vector<16xi32>
      %gather3A_77 = tpu.vector_load_idx %arg9[%add3A_76] : memref<256xf32, #tpu.memory_space<vmem>>[vector<16xi32>], vector<16xf32>,
      %add3A_78 = arith.addf %add3A_70, %gather3A_77 : vector<16xf32>
      %mul3A_79 = arith.constant 16 : i32
      %mul3A_80 = vector.broadcast %mul3A_79 : i32 to vector<16xi32>
      %mul3A_81 = arith.muli %iota3A, %mul3A_80 : vector<16xi32>
      %add3A_82 = arith.constant 6 : i32
      %add3A_83 = vector.broadcast %add3A_82 : i32 to vector<16xi32>
      %add3A_84 = arith.addi %mul3A_81, %add3A_83 : vector<16xi32>
      %gather3A_85 = tpu.vector_load_idx %arg9[%add3A_84] : memref<256xf32, #tpu.memory_space<vmem>>[vector<16xi32>], vector<16xf32>,
      %add3A_86 = arith.addf %add3A_78, %gather3A_85 : vector<16xf32>
      %mul3A_87 = arith.constant 16 : i32
      %mul3A_88 = vector.broadcast %mul3A_87 : i32 to vector<16xi32>
      %mul3A_89 = arith.muli %iota3A, %mul3A_88 : vector<16xi32>
      %add3A_90 = arith.constant 7 : i32
      %add3A_91 = vector.broadcast %add3A_90 : i32 to vector<16xi32>
      %add3A_92 = arith.addi %mul3A_89, %add3A_91 : vector<16xi32>
      %gather3A_93 = tpu.vector_load_idx %arg9[%add3A_92] : memref<256xf32, #tpu.memory_space<vmem>>[vector<16xi32>], vector<16xf32>,
      %add3A_94 = arith.addf %add3A_86, %gather3A_93 : vector<16xf32>
      %mul3A_95 = arith.constant 16 : i32
      %mul3A_96 = vector.broadcast %mul3A_95 : i32 to vector<16xi32>
      %mul3A_97 = arith.muli %iota3A, %mul3A_96 : vector<16xi32>
      %add3A_98 = arith.constant 8 : i32
      %add3A_99 = vector.broadcast %add3A_98 : i32 to vector<16xi32>
      %add3A_100 = arith.addi %mul3A_97, %add3A_99 : vector<16xi32>
      %gather3A_101 = tpu.vector_load_idx %arg9[%add3A_100] : memref<256xf32, #tpu.memory_space<vmem>>[vector<16xi32>], vector<16xf32>,
      %add3A_102 = arith.addf %add3A_94, %gather3A_101 : vector<16xf32>
      %mul3A_103 = arith.constant 16 : i32
      %mul3A_104 = vector.broadcast %mul3A_103 : i32 to vector<16xi32>
      %mul3A_105 = arith.muli %iota3A, %mul3A_104 : vector<16xi32>
      %add3A_106 = arith.constant 9 : i32
      %add3A_107 = vector.broadcast %add3A_106 : i32 to vector<16xi32>
      %add3A_108 = arith.addi %mul3A_105, %add3A_107 : vector<16xi32>
      %gather3A_109 = tpu.vector_load_idx %arg9[%add3A_108] : memref<256xf32, #tpu.memory_space<vmem>>[vector<16xi32>], vector<16xf32>,
      %add3A_110 = arith.addf %add3A_102, %gather3A_109 : vector<16xf32>
      %mul3A_111 = arith.constant 16 : i32
      %mul3A_112 = vector.broadcast %mul3A_111 : i32 to vector<16xi32>
      %mul3A_113 = arith.muli %iota3A, %mul3A_112 : vector<16xi32>
      %add3A_114 = arith.constant 10 : i32
      %add3A_115 = vector.broadcast %add3A_114 : i32 to vector<16xi32>
      %add3A_116 = arith.addi %mul3A_113, %add3A_115 : vector<16xi32>
      %gather3A_117 = tpu.vector_load_idx %arg9[%add3A_116] : memref<256xf32, #tpu.memory_space<vmem>>[vector<16xi32>], vector<16xf32>,
      %add3A_118 = arith.addf %add3A_110, %gather3A_117 : vector<16xf32>
      %mul3A_119 = arith.constant 16 : i32
      %mul3A_120 = vector.broadcast %mul3A_119 : i32 to vector<16xi32>
      %mul3A_121 = arith.muli %iota3A, %mul3A_120 : vector<16xi32>
      %add3A_122 = arith.constant 11 : i32
      %add3A_123 = vector.broadcast %add3A_122 : i32 to vector<16xi32>
      %add3A_124 = arith.addi %mul3A_121, %add3A_123 : vector<16xi32>
      %gather3A_125 = tpu.vector_load_idx %arg9[%add3A_124] : memref<256xf32, #tpu.memory_space<vmem>>[vector<16xi32>], vector<16xf32>,
      %add3A_126 = arith.addf %add3A_118, %gather3A_125 : vector<16xf32>
      %mul3A_127 = arith.constant 16 : i32
      %mul3A_128 = vector.broadcast %mul3A_127 : i32 to vector<16xi32>
      %mul3A_129 = arith.muli %iota3A, %mul3A_128 : vector<16xi32>
      %add3A_130 = arith.constant 12 : i32
      %add3A_131 = vector.broadcast %add3A_130 : i32 to vector<16xi32>
      %add3A_132 = arith.addi %mul3A_129, %add3A_131 : vector<16xi32>
      %gather3A_133 = tpu.vector_load_idx %arg9[%add3A_132] : memref<256xf32, #tpu.memory_space<vmem>>[vector<16xi32>], vector<16xf32>,
      %add3A_134 = arith.addf %add3A_126, %gather3A_133 : vector<16xf32>
      %mul3A_135 = arith.constant 16 : i32
      %mul3A_136 = vector.broadcast %mul3A_135 : i32 to vector<16xi32>
      %mul3A_137 = arith.muli %iota3A, %mul3A_136 : vector<16xi32>
      %add3A_138 = arith.constant 13 : i32
      %add3A_139 = vector.broadcast %add3A_138 : i32 to vector<16xi32>
      %add3A_140 = arith.addi %mul3A_137, %add3A_139 : vector<16xi32>
      %gather3A_141 = tpu.vector_load_idx %arg9[%add3A_140] : memref<256xf32, #tpu.memory_space<vmem>>[vector<16xi32>], vector<16xf32>,
      %add3A_142 = arith.addf %add3A_134, %gather3A_141 : vector<16xf32>
      %mul3A_143 = arith.constant 16 : i32
      %mul3A_144 = vector.broadcast %mul3A_143 : i32 to vector<16xi32>
      %mul3A_145 = arith.muli %iota3A, %mul3A_144 : vector<16xi32>
      %add3A_146 = arith.constant 14 : i32
      %add3A_147 = vector.broadcast %add3A_146 : i32 to vector<16xi32>
      %add3A_148 = arith.addi %mul3A_145, %add3A_147 : vector<16xi32>
      %gather3A_149 = tpu.vector_load_idx %arg9[%add3A_148] : memref<256xf32, #tpu.memory_space<vmem>>[vector<16xi32>], vector<16xf32>,
      %add3A_150 = arith.addf %add3A_142, %gather3A_149 : vector<16xf32>
      %mul3A_151 = arith.constant 16 : i32
      %mul3A_152 = vector.broadcast %mul3A_151 : i32 to vector<16xi32>
      %mul3A_153 = arith.muli %iota3A, %mul3A_152 : vector<16xi32>
      %add3A_154 = arith.constant 15 : i32
      %add3A_155 = vector.broadcast %add3A_154 : i32 to vector<16xi32>
      %add3A_156 = arith.addi %mul3A_153, %add3A_155 : vector<16xi32>
      %gather3A_157 = tpu.vector_load_idx %arg9[%add3A_156] : memref<256xf32, #tpu.memory_space<vmem>>[vector<16xi32>], vector<16xf32>,
      %add3A_158 = arith.addf %add3A_150, %gather3A_157 : vector<16xf32>
      %mul3A_159 = arith.constant 16 : i32
      %mul3A_160 = arith.muli %scan3A_22, %mul3A_159 : i32
      %swap3A = arith.index_cast %mul3A_160 : i32 to index
      %swap3A_161 = tpu.vector_load %arg10[%swap3A] {strides = array<i32>} : memref<128xf32, #tpu.memory_space<vmem>>, vector<16xf32>,
      tpu.vector_store %arg10[%swap3A], %add3A_158 {strides = array<i32>} : memref<128xf32, #tpu.memory_space<vmem>>, vector<16xf32>,
      %scan3A_162 = arith.constant 0 : i32
      scf.yield %scan3A_162 : i32
    }
    %scan3A_19 = arith.constant 8 : i32
    %mul3A_20 = arith.constant 128 : i32
    %mul3A_21 = arith.muli %add3A, %mul3A_20 : i32
    "tpu.region"() ({
      %run_scoped3A = tpu.sem_alloc : memref<!tpu.dma_semaphore, #tpu.memory_space<semaphore_mem>>
      %dma_start3A_22 = tpu.memref_slice %arg4[%mul3A_21] : memref<4096xf32, #tpu.memory_space<hbm>> -> memref<128xf32, #tpu.memory_space<hbm>>
      %dma_start3A_23 = tpu.memref_slice %arg4[%mul3A_21] : memref<4096xf32, #tpu.memory_space<hbm>> -> memref<128xf32, #tpu.memory_space<hbm>>
      tpu.enqueue_dma source(%arg10 : memref<128xf32, #tpu.memory_space<vmem>>) target(%dma_start3A_23 : memref<128xf32, #tpu.memory_space<hbm>>) target_semaphore(%run_scoped3A : memref<!tpu.dma_semaphore, #tpu.memory_space<semaphore_mem>>)
      %dma_wait3A = tpu.memref_slice %arg4[%mul3A_21] : memref<4096xf32, #tpu.memory_space<hbm>> -> memref<128xf32, #tpu.memory_space<hbm>>
      %dma_wait3A_24 = tpu.memref_slice %arg4[%mul3A_21] : memref<4096xf32, #tpu.memory_space<hbm>> -> memref<128xf32, #tpu.memory_space<hbm>>
      tpu.wait_dma2 semaphore(%run_scoped3A : memref<!tpu.dma_semaphore, #tpu.memory_space<semaphore_mem>>) src(%arg10 : memref<128xf32, #tpu.memory_space<vmem>>) dst(%dma_wait3A_24 : memref<128xf32, #tpu.memory_space<hbm>>)
      tpu.yield
    }) : () -> ()
    return
  }
}

</mosaic_0001>

<sc_bundles>
// kernel: _seg_gps.3.cloned.1.call-start
scs
__scs_entry_jumppad:
0x0: {  	(pc) =	sbr.rel $0x88, $3  }
0x1: {  	(tag) =	ssettag $0x0;
	lr =	simm.s32 $0x1  }
0x2: {  	[smem:$0x3F9F] =	sst lr;
	_ =	strace $0xD0000000  }
0x3: {  	_ = 	snop  }
0x4: {  	_ = 	snop  }
0x5: {  	_ = 	snop  }
0x6: {  	_ = 	snop  }
0x7: {  	_ = 	snop  }
__scs_overlays_trampoline_lowered:
0x8: {  	[smem:$0x3FAE] =	sst s0  }
0x9: {  	[smem:$0x3FAF] =	sst s1  }
0xa: {  	[smem:$0x3FB0] =	sst s2  }
0xb: {  	[smem:$0x3FB1] =	sst s3  }
0xc: {  	[smem:$0x3FB2] =	sst s4  }
0xd: {  	[smem:$0x3FB3] =	sst s5  }
0xe: {  	[smem:$0x3FB4] =	sst s6  }
0xf: {  	[smem:$0x3FB5] =	sst s7  }
0x10: {  	[smem:$0x3FB6] =	sst s8  }
0x11: {  	[smem:$0x3FB7] =	sst s9;
	s0 =	simm.s32 @!p0 $0x0  }
0x12: {  	s1 =	sld [smem:$0x3F9D];
	s0 =	simm.s32 @p0 $0x1  }
0x13: {  	[smem:$0x3FB8] =	sst s0;
	s0 =	simm.s32 @!p1 $0x0  }
0x14: {  	s2 =	sld [smem:$0x3F9C];
	s0 =	simm.s32 @p1 $0x1  }
0x15: {  	[smem:$0x3FB9] =	sst s0;
	s0 =	simm.s32 @!p2 $0x0  }
0x16: {  	s3 =	sld [smem:$0x3FDB];
	s0 =	simm.s32 @p2 $0x1  }
0x17: {  	s4 =	simm.s32 $0x1BF5;
	[smem:$0x3FBB] =	sst s0  }
0x18: {  	s0 =	sld [smem:$0x3F9E];
	_ =	swait.ge [sflag:s4], $0x0  }
0x19: {  	s7 =	sld [smem:$0x3F9F]  }
0x1a: {  	s8 =	sadd.s32 $0xFFFFE003, lr  }
0x1b: {  	s9 =	sadd.s32 $0xFFFFFEF7, lr;
	s5 =	simm.s32 $0xFFFFFFFF;
	p2 =	slt.u32 s8, $0xFFFFF086  }
0x1c: {  	p1 =	slt.u32 s9, $0xF7A;
	s5 =	simm.s32 @!p2 $0x0  }
0x1d: {  	s5 =	simm.s32 @p1 $0x1;
	p0 =	seq.s32 s7, s2  }
0x1e: {  	s7 =	smul.u32 @!p0 $0xF7A, s2;
	p2 =	seq.s32 @!p0 s5, $0x0  }
0x1f: {  	s9 =	smul.u32 $0xF7A, s1;
	s8 =	simm.s32 @!p0 $0x1BF5;
	p2 =	por !p2, p0  }
0x20: {  	[sflag:s8] =	ssyncset.s32 @!p0 $0xFFFFF086;
	s6 =	sadd.s32 @!p0 s3, s7;
	s7 =	simm.s32 @!p0 $0x108  }
0x21: {  	s3 =	sadd.s32 s3, s9;
	s6 =	sadd.s32 @!p0 $0x88, s6;
	s7 =	simm.s32 @p2 $0x1082  }
0x22: {  	[simem:s7], [sflag:s8] =	dma.local @!p0 [hbm:s6], $0xF7A  }
0x23: {  	s9 =	sor.u32 $0xD0000000, s2;
	s6 =	simm.s32 $0x108;
	_ =	swait.ge @!p0 [sflag:s8], $0x0  }
0x24: {  	s3 =	sadd.s32 $0x88, s3;
	s6 =	simm.s32 @!p1 $0x1082;
	[sflag:s4] =	ssyncset.s32 $0xFFFFF086  }
0x25: {  	[simem:s6], [sflag:s4] =	dma.local [hbm:s3], $0xF7A  }
0x26: {  	[smem:$0x3F9F] =	sst s1;
	(tag) =	ssettag s2;
	_ =	strace s9  }
0x27: {  	s1 =	sld [smem:$0x3FAF]  }
0x28: {  	s2 =	sld [smem:$0x3FB0]  }
0x29: {  	s4 =	sld [smem:$0x3FB2]  }
0x2a: {  	p0 =	seq.s32 s5, $0x0;
	s5 =	sld [smem:$0x3FB3]  }
0x2b: {  	s6 =	sld [smem:$0x3FB4]  }
0x2c: {  	s7 =	sld [smem:$0x3FB5]  }
0x2d: {  	s3 =	simm.s32 $0x108;
	s8 =	sld [smem:$0x3FB6]  }
0x2e: {  	s3 =	simm.s32 @!p0 $0x1082;
	s9 =	sld [smem:$0x3FB7]  }
0x2f: {  	lr =	sadd.s32 s0, s3;
	s0 =	sld [smem:$0x3FAE]  }
0x30: {  	s3 =	sld [smem:$0x3FB1]  }
0x31: {  	[smem:$0x3FBA] =	sst s10  }
0x32: {  	s10 =	sld [smem:$0x3FB8];
	_ =	sdelay $0x3  }
0x33: {  	p0 =	seq.s32 s10, $0x1;
	s10 =	sld [smem:$0x3FBA];
	_ =	sdelay $0x3  }
0x34: {  	[smem:$0x3FBA] =	sst s10  }
0x35: {  	s10 =	sld [smem:$0x3FB9];
	_ =	sdelay $0x3  }
0x36: {  	p1 =	seq.s32 s10, $0x1;
	s10 =	sld [smem:$0x3FBA];
	_ =	sdelay $0x3  }
0x37: {  	[smem:$0x3FBA] =	sst s10  }
0x38: {  	s10 =	sld [smem:$0x3FBB]  }
0x39: {  	_ = 	snop;
	(pc) =	sbr.ind lr, $3  }
0x3a: {  	_ = 	snop  }
0x3b: {  	_ = 	snop  }
0x3c: {  	p2 =	seq.s32 s10, $0x1;
	s10 =	sld [smem:$0x3FBA]  }
0x3d: {  	_ =	shalt  }
0x3e: {  	_ =	shalt  }
0x3f: {  	_ =	shalt  }
0x40: {  	_ =	shalt  }
0x41: {  	_ =	shalt  }
0x42: {  	_ =	shalt  }
0x43: {  	_ =	shalt  }
0x44: {  	_ =	shalt  }
0x45: {  	_ =	shalt  }
0x46: {  	_ =	shalt  }
0x47: {  	_ =	shalt  }
0x48: {  	_ =	shalt  }
0x49: {  	_ =	shalt  }
0x4a: {  	_ =	shalt  }
0x4b: {  	_ =	shalt  }
0x4c: {  	_ =	shalt  }
0x4d: {  	_ =	shalt  }
0x4e: {  	_ =	shalt  }
0x4f: {  	_ =	shalt  }
0x50: {  	_ =	shalt  }
0x51: {  	_ =	shalt  }
0x52: {  	_ =	shalt  }
0x53: {  	_ =	shalt  }
0x54: {  	_ =	shalt  }
0x55: {  	_ =	shalt  }
0x56: {  	_ =	shalt  }
0x57: {  	_ =	shalt  }
0x58: {  	_ =	shalt  }
0x59: {  	_ =	shalt  }
0x5a: {  	_ =	shalt  }
0x5b: {  	_ =	shalt  }
0x5c: {  	_ =	shalt  }
0x5d: {  	_ =	shalt  }
0x5e: {  	_ =	shalt  }
0x5f: {  	_ =	shalt  }
0x60: {  	_ =	shalt  }
0x61: {  	_ =	shalt  }
0x62: {  	_ =	shalt  }
0x63: {  	_ =	shalt  }
0x64: {  	_ =	shalt  }
0x65: {  	_ =	shalt  }
0x66: {  	_ =	shalt  }
0x67: {  	_ =	shalt  }
0x68: {  	_ =	shalt  }
0x69: {  	_ =	shalt  }
0x6a: {  	_ =	shalt  }
0x6b: {  	_ =	shalt  }
0x6c: {  	_ =	shalt  }
0x6d: {  	_ =	shalt  }
0x6e: {  	_ =	shalt  }
0x6f: {  	_ =	shalt  }
0x70: {  	_ =	shalt  }
0x71: {  	_ =	shalt  }
0x72: {  	_ =	shalt  }
0x73: {  	_ =	shalt  }
0x74: {  	_ =	shalt  }
0x75: {  	_ =	shalt  }
0x76: {  	_ =	shalt  }
0x77: {  	_ =	shalt  }
0x78: {  	_ =	shalt  }
0x79: {  	_ =	shalt  }
0x7a: {  	_ =	shalt  }
0x7b: {  	_ =	shalt  }
0x7c: {  	_ =	shalt  }
0x7d: {  	_ =	shalt  }
0x7e: {  	_ =	shalt  }
0x7f: {  	_ =	shalt  }
0x80: {  	_ =	shalt  }
0x81: {  	_ =	shalt  }
0x82: {  	_ =	shalt  }
0x83: {  	_ =	shalt  }
0x84: {  	_ =	shalt  }
0x85: {  	_ =	shalt  }
0x86: {  	_ =	shalt  }
0x87: {  	_ =	shalt  }
.Lfunc_end0:
.L_simem_size_0:
called_computation.1_lowered:
.L_overlay_start_0:
0x88: {  	s2 =	sld [smem:$0x3FD9]  }
0x89: {  	s3 =	sld [smem:$0x3FFE];
	_ =	sdelay $0x1  }
0x8a: {  	s1 =	srdreg.scid  }
0x8b: {  	s0 =	sand.u32 $0x1, s1  }
0x8c: {  	s17 =	sshll.u32 s0, $0xA;
	s2 =	sadd.s32 s3, s2  }
0x8d: {  	s2 =	sadd.s32 s2, s17  }
0x8e: {  	[smem:$0x3FC6] =	sst s2  }
0x8f: {  	_ = 	snop  }
0x90: {  	s2 =	sld [smem:$0x3FD0];
	(tm) =	ssettm $0x1  }
0x91: {  	s18 =	sld [smem:$0x3FFB];
	_ =	sdelay $0x3  }
0x92: {  	_ =	strace s18  }
0x93: {  	s3 =	sld [smem:$0x3FFC];
	_ =	sdelay $0x3  }
0x94: {  	_ =	strace s3  }
0x95: {  	s3 =	sld [smem:$0x3FFD];
	_ =	sdelay $0x3  }
0x96: {  	_ =	strace s3  }
0x97: {  	_ =	strace $0x8FFFFFFF  }
0x98: {  	s19 =	sld [smem:$0x3FDB];
	_ =	sdelay $0x1  }
0x99: {  	s4 =	simm.s32 $_scs_section_size  }
0x9a: {  	s5 =	simm.s32 $_size__tile_overlayer_lowered;
	s6 =	simm.s32 $_tile_overlayer_lowered  }
0x9b: {  	s22 =	simm.s32 $0x1BFF;
	s21 =	sshll.u32 s6, $0x1;
	s3 =	sadd.s32 s4, s19  }
0x9c: {  	s7 =	simm.s32 $0x0;
	s20 =	sshll.u32 s5, $0x1;
	s5 =	sadd.s32 s21, s3  }
0x9d: {  	[timem:s7], [sflag:s22] =	dma.local [hbm:s5], s20  }
0x9e: {  	_ =	swait.ge [sflag:s22], s20  }
0x9f: {  	s4 =	ssub.s32 $0x0, s20;
	[sflag:s22] =	ssyncset.done $0x0  }
0xa0: {  	[sflag:s22] =	ssyncadd.s32 s4;
	_ =	sdelay $0x1  }
0xa1: {  	s23 =	simm.s32 $0x1B8B  }
0xa2: {  	_ =	swait.ge [sflag:s23], $0x1  }
0xa3: {  	[sflag:s23] =	ssyncset.done $0x0  }
0xa4: {  	s25 =	simm.s32 $0x1B8E;
	s24 =	sld [smem:$0x3FFE];
	[sflag:s23] =	ssyncadd.s32 $0xFFFFFFFF  }
0xa5: {  	s26 =	simm.s32 $execute0_lowered;
	[smem:$0x3FD2] =	sst s25  }
0xa6: {  	s5 =	sshll.u32 s26, $0x1;
	_ =	strace $0x80000049;
	[dreg:$0x1] =	wrdreg $0xFFFFFFFF  }
0xa7: {  	s28 =	simm.s32 $_size_execute0_lowered;
	s3 =	sadd.s32 s3, s5;
	[dreg:$0x0] =	wrdreg $0x0  }
0xa8: {  	s5 =	sshll.u32 s28, $0x1;
	[dreg:$0x2] =	wrdreg s3  }
0xa9: {  	[dreg:$0x3] =	wrdreg s5  }
0xaa: {  	[dreg:$0x4] =	wrdreg $0xC0  }
0xab: {  	_ =	task [dreg:s7], $0x5FFFF  }
0xac: {  	[dreg:$0x1] =	wrdreg $0xFFFFFFFF  }
0xad: {  	[dreg:$0x0] =	wrdreg $0x60  }
0xae: {  	[dreg:$0x2] =	wrdreg s24  }
0xaf: {  	[dreg:$0x3] =	wrdreg s2  }
0xb0: {  	[dreg:$0x4] =	wrdreg $0x9  }
0xb1: {  	_ =	task.clear_ibuf [dreg:s7], $0x5FFFF;
	_ =	strace $0x90000049  }
0xb2: {  	s29 =	simm.s32 $0x9;
	_ =	strace $0x8000004B  }
0xb3: {  	_ =	swait.ge [sflag:s29], $0x1  }
0xb4: {  	[sflag:s29] =	ssyncadd.s32 $0xFFFFFFFF  }
0xb5: {  	_ =	strace $0x9000004B  }
0xb6: {  	_ =	sfence  }
0xb7: {  	s30 =	sld [smem:$0x0];
	_ =	sdelay $0x2  }
0xb8: {  	s31 =	sshll.u32 s1, $0xD;
	s1 =	sshrl.u32 s1, $0x2  }
0xb9: {  	s3 =	sand.u32 $0x4000, s31;
	s1 =	sadd.s32 s1, s30  }
0xba: {  	s0 =	sor.u32 s3, s0;
	s1 =	sshll.u32 s1, $0x11  }
0xbb: {  	s0 =	sor.u32 s1, s0  }
0xbc: {  	s0 =	sadd.s32 $0x8F2B, s0  }
0xbd: {  	[sflag:s0] =	ssyncadd.remote.s32 $0x1  }
0xbe: {  	_ =	sfence.sel $0xFFFF  }
0xbf: {  	[dreg:$0x0] =	wrdreg $0xFFFFFFFF;
	(pc) =	sbr.abs _section_cstart, $3  }
0xc0: {  	[dreg:$0x1] =	wrdreg $0xFFFFFFFF  }
0xc1: {  	_ =	task.clear_ibuf [dreg:s7], $0x2FFFF;
	_ =	strace $0x9FFFFFFF  }
0xc2: {  	(tm) =	ssettm $0x7FFFFFFF  }
0xc3: {  	_ =	shalt  }
tec
execute0_lowered:
.L_overlay_start_1:
0x0: {  	(tag) =	ssettag $0x1  }
0x1: {  	s4 =	rddreg [dreg:$0x0]  }
0x2: {  	s5 =	rddreg [dreg:$0x1];
	s2 =	srdreg.scid  }
0x3: {  	s0 =	rddreg [dreg:$0x2];
	s1 =	stileid.u32  }
0x4: {  	s9 =	simm.s32 $0x2000;
	s10 =	simm.s32 $0x4000;
	s11 =	simm.s32 $0x6000  }
0x5: {  	s12 =	simm.s32 $0x1;
	s13 =	simm.s32 $0x2;
	s14 =	simm.s32 $0x8000  }
0x6: {  	v1 =	vlaneseq.u32;
	s15 =	simm.s32 $0x8100;
	s3 =	sand.u32 $0x1, s2;
	s2 =	simm.s32 $0x0  }
0x7: {  	s6 =	sshll.u32 s1, $0x8;
	v0 =	vmul.u32 $0x442, v1;
	s7 =	sshll.u32 s3, $0x7;
	[smem:$0x7FF] =	sst s2  }
0x8: {  	v1 =	vmul.u32 $0x10, v1;
	s8 =	ssub.s32 $0x2, s3;
	s3 =	sadd.s32 $0x29CA00, s4;
	s6 =	sor.u32 s7, s6  }
0x9: {  	s16 =	simm.s32 $0x0;
	_ =	strace $0x8000004A;
	v2 =	vadd.s32 $0x4420, v0;
	v3 =	vadd.s32 $0x8840, v0;
	v4 =	vadd.s32 $0xCC60, v0;
	s7 =	sshll.u32 s6, $0x3  }
0xa: {  	s31 =	sshrl.u32 s8, $0x1;
	v5 =	vor.u32 $0x1, v1;
	v6 =	vor.u32 $0x2, v1;
	v7 =	vor.u32 $0x3, v1;
	s6 =	sshrl.u32 s6, $0x3;
	s4 =	sadd.s32 s7, s4  }
0xb: {  	v8 =	vor.u32 $0x4, v1;
	v9 =	vor.u32 $0x5, v1;
	v10 =	vor.u32 $0x6, v1;
	s7 =	ssub.s32 s8, s31;
	s5 =	sadd.s32 s5, s6;
	s8 =	simm.s32 $0x80  }
0xc: {  	v11 =	vor.u32 $0x7, v1;
	v12 =	vor.u32 $0x8, v1;
	v13 =	vor.u32 $0x9, v1;
	s4 =	sadd.s32 $0x294A00, s4;
	s6 =	smax.u32 s7, $0x1;
	s7 =	simm.s32 $0x3  }
.LBB2_1:
0xd: {  	[tilespmem:s2], [sflag:$0x3] =	stream.linear.gather [hbm4b:s4+s2], $0x2000, $0x38;
	[tilespmem:$0x8180] =	vst v63  }
0xe: {  	_ =	swait.ge [sflag:s7], $0x2000  }
0xf: {  	[sflag:s7] =	ssyncset.done $0x0  }
0x10: {  	s20 =	simm.s32 $0x0;
	[sflag:s7] =	ssyncadd.s32 $0xFFFFE000  }
0x11: {  	v14 =	vld [tilespmem:s20+$0x10]  }
0x12: {  	v15 =	vld [tilespmem:s20+$0x0];
	_ =	sdelay $0x3  }
0x13: {  	v17 =	vld [tilespmem:s20+$0x20];
	v16 =	vcvt.s32.f32 v14  }
0x14: {  	v18 =	vcvt.s32.f32 v15  }
0x15: {  	(xrf2) =	vadd.scan.msk.f32 $0xffff, v16  }
0x16: {  	(xrf2) =	vadd.scan.msk.f32 $0xffff, v18;
	_ =	sdelay $0x1  }
0x17: {  	v19 =	vcvt.s32.f32 v17;
	_ =	sdelay $0x1  }
0x18: {  	s19 =	simm.s32 $0x40;
	(xrf2) =	vadd.scan.msk.f32 $0xffff, v19  }
0x19: {  	v20 =	vld [tilespmem:s19+$0x10]  }
0x1a: {  	v21 =	vld [tilespmem:s19+$0x0];
	_ =	sdelay $0x2  }
0x1b: {  	v22, _, _ =	vpop (xrf2)  }
0x1c: {  	v23 =	vld [tilespmem:s19+$0x20];
	v25 =	vcvt.s32.f32 v20;
	v24, _, _ =	vpop (xrf2)  }
0x1d: {  	v26 =	vcvt.s32.f32 v21;
	(v2sf) =	vpush v24, $0xF  }
0x1e: {  	v27 =	vld [tilespmem:s20+$0x30];
	(xrf2) =	vadd.scan.msk.f32 $0xffff, v25  }
0x1f: {  	(xrf2) =	vadd.scan.msk.f32 $0xffff, v26;
	(v2sf) =	vpush v22, $0xF  }
0x20: {  	v28, _, _ =	vpop (xrf2)  }
0x21: {  	s17 =	simm.s32 $0x80;
	v29 =	vcvt.s32.f32 v23;
	(v2sf) =	vpush v28, $0xF  }
0x22: {  	v30 =	vld [tilespmem:s17+$0x10]  }
0x23: {  	v31 =	vcvt.s32.f32 v27;
	(xrf2) =	vadd.scan.msk.f32 $0xffff, v29  }
0x24: {  	v32 =	vld [tilespmem:s17+$0x0]  }
0x25: {  	(xrf2) =	vadd.scan.msk.f32 $0xffff, v31;
	_ =	sdelay $0x1  }
0x26: {  	v33 =	vcvt.s32.f32 v30;
	v34 =	vmul.u32 $0x11040, v14  }
0x27: {  	v35 =	vmul.u32 $0x11040, v17;
	v17 =	vsub.f32 v22, v16;
	v18 =	vsub.f32 v24, v18;
	v22 =	vld [tilespmem:s17+$0x20];
	v14, _, _ =	vpop (xrf2)  }
0x28: {  	v15 =	vmul.u32 $0x11040, v15;
	v37 =	vcvt.s32.f32 v32;
	(xrf2) =	vadd.scan.msk.f32 $0xffff, v33;
	v36, _, _ =	vpop (xrf2)  }
0x29: {  	v38 =	vmul.u32 $0x11040, v21;
	v16 =	vtrunc.f32 v18;
	(v2sf) =	vpush v36, $0xF  }
0x2a: {  	v24 =	vmul.u32 $0x11040, v23;
	v23 =	vld [tilespmem:s19+$0x30];
	v19 =	vsub.f32 v28, v19;
	v16 =	vcvt.f32.s32 v16;
	(xrf2) =	vadd.scan.msk.f32 $0xffff, v37  }
0x2b: {  	v18 =	vmul.u32 $0x11040, v20;
	v21 =	vsub.f32 v36, v26;
	(v2sf) =	vpush v14, $0xF;
	s18 =	spop (v2sf)  }
0x2c: {  	v16 =	vshll.u32 v16, $0x5;
	v28 =	vcvt.s32.f32 v22;
	v39 =	vsub.f32 v14, v25;
	v25, _, _ =	vpop (xrf2);
	s21 =	sadd.f32 $0.0e+00, s18  }
0x2d: {  	v15 =	vadd.s32 v16, v15;
	(v2sf) =	vpush v25, $0xF;
	v21 =	vtrunc.f32 v21;
	s18 =	simm.s32 $0xC0;
	s22 =	spop (v2sf)  }
0x2e: {  	v16 =	vmul.u32 $0x11040, v22;
	(xrf2) =	vadd.scan.msk.f32 $0xffff, v28;
	v40 =	vsub.f32 v25, v29;
	v22, _, _ =	vpop (xrf2);
	v21 =	vcvt.f32.s32 v21;
	v25 =	vld [tilespmem:s18+$0x10];
	s22 =	sadd.f32 s22, s21  }
0x2f: {  	v41 =	vcvt.s32.f32 v23;
	v14 =	vmul.u32 $0x11040, v30;
	v22 =	vsub.f32 v22, v31;
	s29 =	spop (v2sf)  }
0x30: {  	v30 =	vshll.u32 v21, $0x5;
	v17 =	vadd.f32 s21, v17;
	v19 =	vadd.f32 s22, v19;
	s21 =	sadd.f32 s29, s22  }
0x31: {  	v20 =	vmul.u32 $0x11040, v32;
	v15 =	vadd.s32 v0, v15;
	v61 =	vadd.s32 v30, v38;
	v29 =	vld [tilespmem:s18+$0x0]  }
0x32: {  	(xrf2) =	vadd.scan.msk.f32 $0xffff, v41;
	v31, _, _ =	vpop (xrf2);
	v17 =	vtrunc.f32 v17;
	v19 =	vtrunc.f32 v19;
	v26 =	vadd.f32 s21, v22  }
0x33: {  	v21 =	vsub.f32 v31, v33;
	v22 =	vcvt.s32.f32 v25;
	v19 =	vcvt.f32.s32 v19  }
0x34: {  	[tilespmem:s20+$0x2000] =	vst v15;
	v59, _, _ =	vpop (xrf2);
	v17 =	vcvt.f32.s32 v17;
	v15 =	vmul.u32 $0x11040, v25;
	v25 =	vtrunc.f32 v26  }
0x35: {  	v58 =	vld [tilespmem:s18+$0x20];
	(v2sf) =	vpush v59, $0xF;
	(xrf2) =	vadd.scan.msk.f32 $0xffff, v22;
	v60 =	vshll.u32 v19, $0x5;
	v19 =	vcvt.f32.s32 v25  }
0x36: {  	v17 =	vshll.u32 v17, $0x5;
	v26 =	vcvt.s32.f32 v29;
	v25 =	vmul.u32 $0x11040, v27  }
0x37: {  	v34 =	vadd.s32 v17, v34;
	v17 =	vmul.u32 $0x11040, v29;
	v29 =	vshll.u32 v19, $0x5  }
0x38: {  	v33 =	vadd.s32 v0, v61;
	(v2sf) =	vpush v31, $0xF;
	v31, _, _ =	vpop (xrf2);
	s30 =	spop (v2sf);
	(xrf2) =	vadd.scan.msk.f32 $0xffff, v26;
	v19 =	vld [tilespmem:s17+$0x30];
	v25 =	vadd.s32 v29, v25  }
0x39: {  	(v2sf) =	vpush v31, $0xF;
	v27 =	vsub.f32 v59, v37;
	s31 =	sadd.f32 $0.0e+00, s30;
	v30 =	vadd.s32 v4, v25  }
0x3a: {  	s21 =	simm.s32 $0x100;
	v36 =	vadd.s32 v2, v34;
	v35 =	vadd.s32 v60, v35;
	s23 =	spop (v2sf);
	v25 =	vcvt.s32.f32 v58;
	[tilespmem:s20+$0x2030] =	vst v30  }
0x3b: {  	v63 =	vadd.s32 v3, v35;
	v29 =	vtrunc.f32 v27;
	v27 =	vsub.f32 v31, v28;
	s23 =	sadd.f32 s23, s31;
	v30 =	vld [tilespmem:s21+$0x10]  }
0x3c: {  	v62, _, _ =	vpop (xrf2);
	s24 =	spop (v2sf);
	v28 =	vmul.u32 $0x11040, v58;
	v32 =	vadd.f32 s31, v39;
	v31 =	vcvt.f32.s32 v29;
	(xrf2) =	vadd.scan.msk.f32 $0xffff, v25  }
0x3d: {  	s22 =	simm.s32 $0x500;
	v35 =	vsub.f32 v62, v41;
	v34 =	vadd.f32 s23, v40;
	s23 =	sadd.f32 s24, s23;
	[tilespmem:s20+$0x2020] =	vst v63;
	v29 =	vcvt.s32.f32 v19  }
.LBB2_2:
0x3e: {  	p0 =	sne.s32 s22, $0x7F00;
	v37 =	vld [tilespmem:s21+$0x0];
	v31 =	vshll.u32 v31, $0x5;
	v32 =	vtrunc.f32 v32;
	[tilespmem:s20+$0x2010] =	vst v36;
	v38 =	vmov v28;
	s20 =	smov.u32 s19;
	s19 =	smov.u32 s17  }
0x3f: {  	s17 =	smov.u32 s18;
	s18 =	smov.u32 s21;
	v28, _, _ =	vpop (xrf2);
	(xrf2) =	vadd.scan.msk.f32 $0xffff, v29;
	v32 =	vcvt.f32.s32 v32;
	v34 =	vtrunc.f32 v34;
	v35 =	vadd.f32 s23, v35  }
0x40: {  	v36 =	vsub.f32 v28, v22;
	v22 =	vcvt.s32.f32 v30;
	[tilespmem:s20+$0x2000] =	vst v33;
	v33 =	vcvt.f32.s32 v34  }
0x41: {  	v30 =	vmul.u32 $0x11040, v30;
	v32 =	vshll.u32 v32, $0x5;
	v34 =	vtrunc.f32 v35  }
0x42: {  	v35 =	vld [tilespmem:s18+$0x20];
	(xrf2) =	vadd.scan.msk.f32 $0xffff, v22;
	v39, _, _ =	vpop (xrf2);
	v40 =	vadd.s32 v32, v18;
	v32 =	vshll.u32 v33, $0x5;
	v33 =	vcvt.f32.s32 v34  }
0x43: {  	v41 =	vmul.u32 $0x11040, v23;
	v18 =	vmovc v14;
	v14 =	vmovc v15;
	v34 =	vcvt.s32.f32 v37;
	(v2sf) =	vpush v39, $0xF  }
0x44: {  	v23 =	vmovc v19;
	v15 =	vmovc v30;
	v37 =	vmul.u32 $0x11040, v37;
	v39 =	vsub.f32 v39, v26;
	v33 =	vshll.u32 v33, $0x5  }
0x45: {  	v42 =	vadd.s32 v32, v24;
	(xrf2) =	vadd.scan.msk.f32 $0xffff, v34;
	v19 =	vld [tilespmem:s17+$0x30];
	(v2sf) =	vpush v28, $0xF;
	s21 =	spop (v2sf);
	v24 =	vadd.s32 v33, v41;
	v26 =	vmovc v34  }
.Ltmp0:
0x46: {  	v32 =	vtrunc.f32 v39;
	v33 =	vadd.s32 v31, v20;
	v28, _, _ =	vpop (xrf2);
	s23 =	sadd.f32 $0.0e+00, s21;
	v34 =	vadd.s32 v4, v24;
	(pc) =	sbr.rel @p0 .LBB2_2-.Ltmp0, $4  }
0x47: {  	v20 =	vmovc v17;
	v17 =	vmovc v37;
	s21 =	sshra.s32 s22, $0x2;
	v39 =	vsub.f32 v28, v25;
	v25 =	vcvt.s32.f32 v35;
	(v2sf) =	vpush v28, $0xF;
	s24 =	spop (v2sf);
	[tilespmem:s20+$0x2030] =	vst v34  }
0x48: {  	v31 =	vcvt.f32.s32 v32;
	v28 =	vmul.u32 $0x11040, v35;
	v30 =	vld [tilespmem:s21+$0x10];
	v32 =	vadd.f32 s23, v21;
	s23 =	sadd.f32 s24, s23;
	v21 =	vmovc v36;
	v24 =	vmovc v16  }
0x49: {  	v37 =	vadd.s32 v3, v42;
	v33 =	vadd.s32 v0, v33;
	v36 =	vadd.s32 v2, v40;
	(xrf2) =	vadd.scan.msk.f32 $0xffff, v25;
	s24 =	spop (v2sf);
	v16, _, _ =	vpop (xrf2)  }
0x4a: {  	s22 =	sadd.s32 $0x100, s22;
	v34 =	vadd.f32 s23, v27;
	s23 =	sadd.f32 s24, s23;
	v35 =	vsub.f32 v16, v29;
	v29 =	vcvt.s32.f32 v19;
	[tilespmem:s20+$0x2020] =	vst v37;
	v27 =	vmovc v39;
	v16 =	vmovc v38  }
0x4b: {  	v37 =	vld [tilespmem:s21+$0x0]  }
0x4c: {  	[tilespmem:s20+$0x2010] =	vst v36  }
0x4d: {  	[tilespmem:s19+$0x2000] =	vst v33  }
0x4e: {  	v36 =	vld [tilespmem:s21+$0x20]  }
0x4f: {  	v56 =	vcvt.s32.f32 v30  }
0x50: {  	(xrf2) =	vadd.scan.msk.f32 $0xffff, v29;
	v38 =	vcvt.s32.f32 v37  }
0x51: {  	(xrf2) =	vadd.scan.msk.f32 $0xffff, v56  }
0x52: {  	(xrf2) =	vadd.scan.msk.f32 $0xffff, v38  }
0x53: {  	v39 =	vcvt.s32.f32 v36  }
0x54: {  	v32 =	vtrunc.f32 v32;
	v40, _, _ =	vpop (xrf2)  }
0x55: {  	v35 =	vadd.f32 s23, v35;
	v34 =	vtrunc.f32 v34;
	v32 =	vcvt.f32.s32 v32;
	v41, _, _ =	vpop (xrf2);
	(xrf2) =	vadd.scan.msk.f32 $0xffff, v39  }
0x56: {  	v34 =	vcvt.f32.s32 v34;
	(v2sf) =	vpush v41, $0xF  }
0x57: {  	v35 =	vtrunc.f32 v35;
	v32 =	vshll.u32 v32, $0x5  }
0x58: {  	v57 =	vld [tilespmem:s18+$0x30];
	v35 =	vcvt.f32.s32 v35;
	v34 =	vshll.u32 v34, $0x5;
	(v2sf) =	vpush v40, $0xF  }
0x59: {  	v23 =	vmul.u32 $0x11040, v23;
	v18 =	vadd.s32 v32, v18;
	v24 =	vadd.s32 v34, v24;
	v42, _, _ =	vpop (xrf2)  }
0x5a: {  	v18 =	vadd.s32 v2, v18;
	v35 =	vshll.u32 v35, $0x5;
	(v2sf) =	vpush v42, $0xF;
	v58, _, _ =	vpop (xrf2)  }
0x5b: {  	v31 =	vshll.u32 v31, $0x5;
	v59 =	vadd.s32 v3, v24;
	[tilespmem:s19+$0x2010] =	vst v18;
	v23 =	vadd.s32 v35, v23;
	v60, _, _ =	vpop (xrf2)  }
0x5c: {  	v20 =	vadd.s32 v31, v20;
	[tilespmem:s19+$0x2020] =	vst v59;
	v23 =	vadd.s32 v4, v23;
	v61, _, _ =	vpop (xrf2)  }
0x5d: {  	v20 =	vadd.s32 v0, v20;
	s29 =	spop (v2sf);
	v62 =	vcvt.s32.f32 v57;
	[tilespmem:s19+$0x2030] =	vst v23;
	(v2sf) =	vpush v61, $0xF  }
0x5e: {  	v26 =	vsub.f32 v41, v26;
	[tilespmem:s17+$0x2000] =	vst v20  }
0x5f: {  	v19 =	vmul.u32 $0x11040, v19;
	v22 =	vsub.f32 v40, v22;
	s30 =	sadd.f32 $0.0e+00, s29;
	s31 =	spop (v2sf);
	v20 =	vld [tilespmem:s21+$0x30];
	(v2sf) =	vpush v60, $0xF;
	v63, _, _ =	vpop (xrf2);
	(xrf2) =	vadd.scan.msk.f32 $0xffff, v62  }
0x60: {  	v43 =	vmul.u32 $0x11040, v37;
	v40 =	vmul.u32 $0x11040, v30;
	v26 =	vtrunc.f32 v26  }
0x61: {  	v36 =	vmul.u32 $0x11040, v36;
	s20 =	sadd.f32 s31, s30;
	v21 =	vadd.f32 s30, v21;
	s22 =	spop (v2sf);
	(v2sf) =	vpush v63, $0xF  }
0x62: {  	v50 =	vmul.u32 $0x11040, v57;
	v26 =	vcvt.f32.s32 v26;
	v25 =	vsub.f32 v42, v25  }
0x63: {  	s22 =	sadd.f32 s22, s20;
	v41 =	vsub.f32 v58, v29;
	v27 =	vadd.f32 s20, v27;
	v21 =	vtrunc.f32 v21  }
0x64: {  	v26 =	vshll.u32 v26, $0x5;
	v21 =	vcvt.f32.s32 v21;
	v44 =	vcvt.s32.f32 v20  }
0x65: {  	v17 =	vadd.s32 v26, v17;
	v29 =	vadd.f32 s22, v41;
	v27 =	vtrunc.f32 v27;
	s23 =	spop (v2sf)  }
0x66: {  	v17 =	vadd.s32 v0, v17;
	v27 =	vcvt.f32.s32 v27;
	v21 =	vshll.u32 v21, $0x5;
	(xrf2) =	vadd.scan.msk.f32 $0xffff, v44;
	s19 =	sadd.f32 $0.0e+00, s23  }
0x67: {  	v24 =	vsub.f32 v60, v56;
	v29 =	vtrunc.f32 v29;
	v14 =	vadd.s32 v21, v14;
	s24 =	spop (v2sf)  }
0x68: {  	v29 =	vcvt.f32.s32 v29;
	v27 =	vshll.u32 v27, $0x5;
	v14 =	vadd.s32 v2, v14;
	s20 =	sadd.f32 s24, s19  }
0x69: {  	v23 =	vsub.f32 v61, v38;
	v16 =	vadd.s32 v27, v16;
	v61 =	vmul.u32 $0x11040, v20;
	s25 =	spop (v2sf);
	v47, _, _ =	vpop (xrf2)  }
0x6a: {  	v29 =	vshll.u32 v29, $0x5;
	v22 =	vadd.f32 s19, v22;
	s26 =	sadd.f32 s25, s20;
	v18 =	vsub.f32 v47, v62  }
0x6b: {  	v16 =	vadd.s32 v3, v16;
	v19 =	vadd.s32 v29, v19;
	v45 =	vtrunc.f32 v23  }
0x6c: {  	v21 =	vcvt.f32.s32 v45;
	v22 =	vtrunc.f32 v22;
	v18 =	vadd.f32 s26, v18;
	s28 =	spop (v2sf)  }
0x6d: {  	v46 =	vsub.f32 v63, v39;
	v25 =	vadd.f32 s20, v25;
	v22 =	vcvt.f32.s32 v22;
	s29 =	sadd.f32 $0.0e+00, s28  }
0x6e: {  	v19 =	vadd.s32 v4, v19;
	v21 =	vshll.u32 v21, $0x5;
	s30 =	spop (v2sf);
	v18 =	vtrunc.f32 v18  }
0x6f: {  	v25 =	vtrunc.f32 v25;
	v22 =	vshll.u32 v22, $0x5;
	v18 =	vcvt.f32.s32 v18;
	s19 =	sadd.f32 s30, s29  }
0x70: {  	v54 =	vadd.s32 v21, v43;
	v25 =	vcvt.f32.s32 v25;
	v15 =	vadd.s32 v22, v15;
	v48, _, _ =	vpop (xrf2);
	s31 =	spop (v2sf)  }
0x71: {  	[tilespmem:s17+$0x2010] =	vst v14;
	v26 =	vsub.f32 v48, v44;
	v18 =	vshll.u32 v18, $0x5;
	s22 =	sadd.f32 s31, s19;
	v55 =	vadd.f32 s19, v46  }
0x72: {  	[tilespmem:s17+$0x2020] =	vst v16;
	v49 =	vshll.u32 v25, $0x5;
	v56 =	vadd.f32 s29, v24;
	v53 =	vadd.s32 v18, v50  }
0x73: {  	[tilespmem:s17+$0x2030] =	vst v19;
	v14 =	vadd.s32 v4, v53;
	v52 =	vadd.f32 s22, v26;
	v58 =	vtrunc.f32 v55  }
0x74: {  	v15 =	vadd.s32 v2, v15;
	[tilespmem:s18+$0x2030] =	vst v14;
	v14 =	vtrunc.f32 v56;
	v60 =	vcvt.f32.s32 v58  }
0x75: {  	[tilespmem:s18+$0x2000] =	vst v17;
	v51 =	vadd.s32 v49, v28;
	v14 =	vcvt.f32.s32 v14;
	v22 =	vtrunc.f32 v52  }
0x76: {  	[tilespmem:s18+$0x2010] =	vst v15;
	v57 =	vadd.s32 v3, v51;
	v59 =	vcvt.f32.s32 v22;
	v15 =	vshll.u32 v60, $0x5  }
0x77: {  	[tilespmem:s18+$0x2020] =	vst v57;
	v18 =	vadd.s32 v0, v54;
	v14 =	vshll.u32 v14, $0x5;
	v15 =	vadd.s32 v15, v36  }
0x78: {  	[tilespmem:s21+$0x2000] =	vst v18;
	v14 =	vadd.s32 v14, v40;
	v62 =	vshll.u32 v59, $0x5;
	v15 =	vadd.s32 v3, v15  }
0x79: {  	v14 =	vadd.s32 v2, v14;
	v63 =	vadd.s32 v62, v61;
	[tilespmem:s21+$0x2020] =	vst v15  }
0x7a: {  	[tilespmem:s21+$0x2010] =	vst v14;
	v16 =	vadd.s32 v4, v63  }
0x7b: {  	s17 =	simm.s32 $0x0;
	[tilespmem:s21+$0x2030] =	vst v16  }
0x7c: {  	[tilespmem:s10], [sflag:$0x1] =	stream.indirect.gather [hbm4b:s3+s8], $0x40, s9, s8, $0xb8;
	[tilespmem:$0x8180] =	vst v63  }
.LBB2_4:
0x7d: {  	s18 =	sshll.u32 s17, $0x3;
	s19 =	simm.s32 $0x0  }
.LBB2_5:
0x7e: {  	s20 =	sshll.u32 s19, $0x1  }
0x7f: {  	s20 =	sadd.s32 s18, s20  }
0x80: {  	s21 =	sshll.u32 s20, $0x7  }
0x81: {  	s21 =	sand.u32 $0x3FFFFF80, s21  }
0x82: {  	s22 =	sadd.s32 $0x2080, s21  }
0x83: {  	[tilespmem:s11], [sflag:$0x2] =	stream.indirect.gather [hbm4b:s3+s8], $0x40, s22, s8, $0xb8;
	[tilespmem:$0x8180] =	vst v63  }
0x84: {  	_ =	swait.ge [sflag:s12], $0x2000  }
0x85: {  	[sflag:s12] =	ssyncset.done $0x0  }
0x86: {  	s22 =	simm.s32 $0x0;
	[sflag:s12] =	ssyncadd.s32 $0xFFFFE000  }
0x87: {  	v15 =	vld [tilespmem:s22+$0x4180]  }
0x88: {  	v19 =	vld [tilespmem:s22+$0x4190]  }
0x89: {  	v25 =	vld [tilespmem:s22+$0x41A0]  }
0x8a: {  	v26 =	vld [tilespmem:s22+$0x41B0]  }
0x8b: {  	v17 =	vld [tilespmem:s22+$0x41C0]  }
0x8c: {  	v18 =	vld [tilespmem:s22+$0x41D0]  }
0x8d: {  	v22 =	vld [tilespmem:s22+$0x4100]  }
0x8e: {  	v38 =	vld [tilespmem:s22+$0x4110]  }
0x8f: {  	v21 =	vld [tilespmem:s22+$0x4120]  }
0x90: {  	v35 =	vld [tilespmem:s22+$0x4130]  }
0x91: {  	v24 =	vld [tilespmem:s22+$0x4140]  }
0x92: {  	v16 =	vld [tilespmem:s22+$0x4080]  }
0x93: {  	v20 =	vld [tilespmem:s22+$0x4090]  }
0x94: {  	v23 =	vld [tilespmem:s22+$0x4000]  }
0x95: {  	v28 =	vld [tilespmem:s22+$0x4010]  }
0x96: {  	v29 =	vld [tilespmem:s22+$0x4020]  }
0x97: {  	v30 =	vld [tilespmem:s22+$0x4030]  }
0x98: {  	v31 =	vld [tilespmem:s22+$0x40A0]  }
0x99: {  	v32 =	vld [tilespmem:s22+$0x40B0]  }
0x9a: {  	v14 =	vimm.f32 $1.000000000e+00;
	v27 =	vld [tilespmem:s22+$0x4150]  }
0x9b: {  	v40 =	vld [tilespmem:s22+$0x40C0];
	v23 =	vmul.f32 v23, v14;
	v28 =	vmul.f32 v28, v14  }
0x9c: {  	v41 =	vld [tilespmem:s22+$0x40D0];
	v29 =	vmul.f32 v29, v14;
	v30 =	vmul.f32 v30, v14  }
0x9d: {  	v42 =	vld [tilespmem:s22+$0x4040];
	v39 =	vmul.f32 v16, v23;
	v45 =	vmul.f32 v20, v28  }
0x9e: {  	v36 =	vimm.f32 $1.000000000e+00;
	v43 =	vld [tilespmem:s22+$0x4050];
	v46 =	vmul.f32 v31, v29;
	v47 =	vmul.f32 v32, v30  }
0x9f: {  	s23 =	simm.s32 $0x800;
	v44 =	vld [tilespmem:s22+$0x4060];
	v28 =	vimm.f32 $1.000000000e+00;
	v29 =	vimm.f32 $1.000000000e+00;
	v30 =	vimm.f32 $1.000000000e+00  }
.LBB2_6:
0xa0: {  	p0 =	sne.s32 s23, $0x3800;
	v16 =	vld [tilespmem:s22+$0x4070];
	v20 =	vmul.f32 v22, v39;
	v22 =	vmul.f32 v38, v45  }
0xa1: {  	v23 =	vld [tilespmem:s22+$0x40E0];
	v21 =	vmul.f32 v21, v46;
	v31 =	vmul.f32 v35, v47  }
0xa2: {  	v32 =	vld [tilespmem:s22+$0x40F0];
	v20 =	vmul.f32 v15, v20;
	v33 =	vmul.f32 v19, v22  }
0xa3: {  	v22 =	vld [tilespmem:s22+$0x4160];
	v34 =	vmul.f32 v25, v21;
	v31 =	vmul.f32 v26, v31  }
0xa4: {  	v15 =	vmul.f32 v42, v28;
	v19 =	vmul.f32 v43, v36;
	v21 =	vld [tilespmem:s22+$0x4170]  }
0xa5: {  	v25 =	vmul.f32 v44, v29;
	v16 =	vmul.f32 v16, v30;
	v29 =	vld [tilespmem:s22+$0x41E0]  }
0xa6: {  	v26 =	vmul.f32 v40, v15;
	v28 =	vmul.f32 v41, v19;
	v30 =	vld [tilespmem:s22+$0x41F0];
	s22 =	sshra.s32 s23, $0x2  }
0xa7: {  	v23 =	vmul.f32 v23, v25;
	v15 =	vld [tilespmem:s22+$0x4180];
	v16 =	vmul.f32 v32, v16  }
0xa8: {  	v24 =	vmul.f32 v24, v26;
	v27 =	vmul.f32 v27, v28;
	v19 =	vld [tilespmem:s22+$0x4190]  }
0xa9: {  	v22 =	vmul.f32 v22, v23;
	v25 =	vld [tilespmem:s22+$0x41A0];
	v16 =	vmul.f32 v21, v16  }
0xaa: {  	v28 =	vmul.f32 v17, v24;
	v36 =	vmul.f32 v18, v27;
	v26 =	vld [tilespmem:s22+$0x41B0]  }
0xab: {  	v29 =	vmul.f32 v29, v22;
	v17 =	vld [tilespmem:s22+$0x41C0];
	v30 =	vmul.f32 v30, v16  }
0xac: {  	v18 =	vld [tilespmem:s22+$0x41D0]  }
0xad: {  	v22 =	vld [tilespmem:s22+$0x4100]  }
0xae: {  	v38 =	vld [tilespmem:s22+$0x4110]  }
0xaf: {  	v21 =	vld [tilespmem:s22+$0x4120]  }
0xb0: {  	v35 =	vld [tilespmem:s22+$0x4130]  }
0xb1: {  	v24 =	vld [tilespmem:s22+$0x4140]  }
0xb2: {  	v27 =	vld [tilespmem:s22+$0x4150]  }
0xb3: {  	v16 =	vld [tilespmem:s22+$0x4080]  }
0xb4: {  	v23 =	vld [tilespmem:s22+$0x4090]  }
0xb5: {  	v32 =	vld [tilespmem:s22+$0x4000]  }
0xb6: {  	v37 =	vld [tilespmem:s22+$0x4010]  }
0xb7: {  	v39 =	vld [tilespmem:s22+$0x4020]  }
0xb8: {  	v42 =	vld [tilespmem:s22+$0x4030]  }
0xb9: {  	v46 =	vld [tilespmem:s22+$0x40A0]  }
0xba: {  	v47 =	vld [tilespmem:s22+$0x40B0]  }
.Ltmp1:
0xbb: {  	v40 =	vld [tilespmem:s22+$0x40C0];
	(pc) =	sbr.rel @p0 .LBB2_6-.Ltmp1, $4  }
0xbc: {  	v20 =	vmul.f32 v32, v20;
	v32 =	vmul.f32 v37, v33;
	v41 =	vld [tilespmem:s22+$0x40D0]  }
0xbd: {  	v33 =	vmul.f32 v39, v34;
	v31 =	vmul.f32 v42, v31;
	v42 =	vld [tilespmem:s22+$0x4040]  }
0xbe: {  	v39 =	vmul.f32 v16, v20;
	v45 =	vmul.f32 v23, v32;
	v43 =	vld [tilespmem:s22+$0x4050]  }
0xbf: {  	s23 =	sadd.s32 $0x800, s23;
	v46 =	vmul.f32 v46, v33;
	v44 =	vld [tilespmem:s22+$0x4060];
	v47 =	vmul.f32 v47, v31  }
0xc0: {  	v48 =	vld [tilespmem:s22+$0x4070]  }
0xc1: {  	v49 =	vld [tilespmem:s22+$0x40E0]  }
0xc2: {  	v50 =	vld [tilespmem:s22+$0x40F0]  }
0xc3: {  	v51 =	vld [tilespmem:s22+$0x4160]  }
0xc4: {  	v52 =	vld [tilespmem:s22+$0x4170]  }
0xc5: {  	v53 =	vld [tilespmem:s22+$0x41E0]  }
0xc6: {  	v54 =	vld [tilespmem:s22+$0x41F0];
	s22 =	simm.s32 $0x0  }
0xc7: {  	v32 =	vld [tilespmem:s22+$0x5180]  }
0xc8: {  	v33 =	vld [tilespmem:s22+$0x5190]  }
0xc9: {  	v34 =	vld [tilespmem:s22+$0x51A0]  }
0xca: {  	v23 =	vld [tilespmem:s22+$0x51B0]  }
0xcb: {  	v16 =	vld [tilespmem:s22+$0x51C0]  }
0xcc: {  	v20 =	vld [tilespmem:s22+$0x51D0]  }
0xcd: {  	v31 =	vld [tilespmem:s22+$0x5100]  }
0xce: {  	v37 =	vld [tilespmem:s22+$0x5110]  }
0xcf: {  	v45 =	vmul.f32 v38, v45;
	v38 =	vld [tilespmem:s22+$0x5120]  }
0xd0: {  	v22 =	vmul.f32 v22, v39;
	v39 =	vld [tilespmem:s22+$0x5130]  }
0xd1: {  	v46 =	vmul.f32 v21, v46;
	v47 =	vmul.f32 v35, v47;
	v35 =	vld [tilespmem:s22+$0x5140]  }
0xd2: {  	v57 =	vld [tilespmem:s22+$0x5090];
	v21 =	vmul.f32 v15, v22;
	v22 =	vmul.f32 v19, v45  }
0xd3: {  	v58 =	vld [tilespmem:s22+$0x5000];
	v19 =	vmul.f32 v25, v46;
	v15 =	vmul.f32 v26, v47  }
0xd4: {  	v60 =	vld [tilespmem:s22+$0x5020];
	v26 =	vmul.f32 v42, v28;
	v28 =	vmul.f32 v43, v36  }
0xd5: {  	v59 =	vld [tilespmem:s22+$0x5010];
	v29 =	vmul.f32 v44, v29;
	v30 =	vmul.f32 v48, v30  }
0xd6: {  	v62 =	vld [tilespmem:s22+$0x50A0];
	v26 =	vmul.f32 v40, v26;
	v28 =	vmul.f32 v41, v28  }
0xd7: {  	v45 =	vld [tilespmem:s22+$0x5040];
	v29 =	vmul.f32 v49, v29;
	v30 =	vmul.f32 v50, v30  }
0xd8: {  	v24 =	vmul.f32 v24, v26;
	v26 =	vmul.f32 v27, v28;
	v27 =	vld [tilespmem:s22+$0x5030]  }
0xd9: {  	v25 =	vld [tilespmem:s22+$0x5080];
	v63 =	vmul.f32 v60, v14;
	v28 =	vmul.f32 v51, v29  }
0xda: {  	v61 =	vmul.f32 v52, v30;
	v30 =	vmul.f32 v18, v26;
	v18 =	vld [tilespmem:s22+$0x50B0]  }
0xdb: {  	v36 =	vld [tilespmem:s22+$0x5150];
	v49 =	vmul.f32 v62, v63;
	v29 =	vmul.f32 v17, v24  }
0xdc: {  	v43 =	vld [tilespmem:s22+$0x50C0];
	v17 =	vmul.f32 v58, v14;
	v26 =	vmul.f32 v59, v14  }
0xdd: {  	v46 =	vld [tilespmem:s22+$0x5050];
	v42 =	vimm.f32 $1.000000000e+00;
	v28 =	vmul.f32 v53, v28;
	v27 =	vmul.f32 v27, v14  }
0xde: {  	v47 =	vld [tilespmem:s22+$0x5060];
	v40 =	vimm.f32 $1.000000000e+00;
	v48 =	vmul.f32 v25, v17;
	v17 =	vmul.f32 v57, v26  }
0xdf: {  	s23 =	simm.s32 $0x800;
	v44 =	vld [tilespmem:s22+$0x50D0];
	v41 =	vimm.f32 $1.000000000e+00;
	v24 =	vmul.f32 v54, v61;
	v18 =	vmul.f32 v18, v27  }
.LBB2_8:
0xe0: {  	p0 =	sne.s32 s23, $0x3800;
	v25 =	vld [tilespmem:s22+$0x5070];
	v26 =	vmul.f32 v31, v48;
	v17 =	vmul.f32 v37, v17  }
0xe1: {  	v27 =	vld [tilespmem:s22+$0x50E0];
	v31 =	vmul.f32 v38, v49;
	v18 =	vmul.f32 v39, v18  }
0xe2: {  	v37 =	vld [tilespmem:s22+$0x50F0];
	v26 =	vmul.f32 v32, v26;
	v17 =	vmul.f32 v33, v17  }
0xe3: {  	v38 =	vld [tilespmem:s22+$0x5160];
	v48 =	vmul.f32 v34, v31;
	v18 =	vmul.f32 v23, v18  }
0xe4: {  	v14 =	vmul.f32 v45, v14;
	v23 =	vmul.f32 v46, v42;
	v31 =	vld [tilespmem:s22+$0x5170]  }
0xe5: {  	v33 =	vmul.f32 v47, v40;
	v25 =	vmul.f32 v25, v41;
	v39 =	vld [tilespmem:s22+$0x51E0]  }
0xe6: {  	v14 =	vmul.f32 v43, v14;
	v23 =	vmul.f32 v44, v23;
	v41 =	vld [tilespmem:s22+$0x51F0];
	s22 =	sshra.s32 s23, $0x2  }
0xe7: {  	v27 =	vmul.f32 v27, v33;
	v32 =	vld [tilespmem:s22+$0x5180];
	v25 =	vmul.f32 v37, v25  }
0xe8: {  	v14 =	vmul.f32 v35, v14;
	v35 =	vmul.f32 v36, v23;
	v33 =	vld [tilespmem:s22+$0x5190]  }
0xe9: {  	v27 =	vmul.f32 v38, v27;
	v34 =	vld [tilespmem:s22+$0x51A0];
	v25 =	vmul.f32 v31, v25  }
0xea: {  	v14 =	vmul.f32 v16, v14;
	v42 =	vmul.f32 v20, v35;
	v23 =	vld [tilespmem:s22+$0x51B0]  }
0xeb: {  	v40 =	vmul.f32 v39, v27;
	v16 =	vld [tilespmem:s22+$0x51C0];
	v41 =	vmul.f32 v41, v25  }
0xec: {  	v20 =	vld [tilespmem:s22+$0x51D0]  }
0xed: {  	v31 =	vld [tilespmem:s22+$0x5100]  }
0xee: {  	v37 =	vld [tilespmem:s22+$0x5110]  }
0xef: {  	v38 =	vld [tilespmem:s22+$0x5120]  }
0xf0: {  	v39 =	vld [tilespmem:s22+$0x5130]  }
0xf1: {  	v35 =	vld [tilespmem:s22+$0x5140]  }
0xf2: {  	v36 =	vld [tilespmem:s22+$0x5150]  }
0xf3: {  	v25 =	vld [tilespmem:s22+$0x5080]  }
0xf4: {  	v27 =	vld [tilespmem:s22+$0x5090]  }
0xf5: {  	v44 =	vld [tilespmem:s22+$0x5000]  }
0xf6: {  	v45 =	vld [tilespmem:s22+$0x5010]  }
0xf7: {  	v46 =	vld [tilespmem:s22+$0x5020]  }
0xf8: {  	v47 =	vld [tilespmem:s22+$0x5030]  }
0xf9: {  	v49 =	vld [tilespmem:s22+$0x50A0]  }
0xfa: {  	v50 =	vld [tilespmem:s22+$0x50B0]  }
.Ltmp2:
0xfb: {  	v43 =	vld [tilespmem:s22+$0x50C0];
	(pc) =	sbr.rel @p0 .LBB2_8-.Ltmp2, $4  }
0xfc: {  	v26 =	vmul.f32 v44, v26;
	v17 =	vmul.f32 v45, v17;
	v44 =	vld [tilespmem:s22+$0x50D0]  }
0xfd: {  	v51 =	vmul.f32 v46, v48;
	v18 =	vmul.f32 v47, v18;
	v45 =	vld [tilespmem:s22+$0x5040]  }
0xfe: {  	v48 =	vmul.f32 v25, v26;
	v17 =	vmul.f32 v27, v17;
	v46 =	vld [tilespmem:s22+$0x5050]  }
0xff: {  	s23 =	sadd.s32 $0x800, s23;
	v49 =	vmul.f32 v49, v51;
	v47 =	vld [tilespmem:s22+$0x5060];
	v18 =	vmul.f32 v50, v18  }
0x100: {  	v50 =	vld [tilespmem:s22+$0x5070]  }
0x101: {  	v51 =	vld [tilespmem:s22+$0x50E0]  }
0x102: {  	v52 =	vld [tilespmem:s22+$0x50F0]  }
0x103: {  	v53 =	vld [tilespmem:s22+$0x5160]  }
0x104: {  	v54 =	vld [tilespmem:s22+$0x5170]  }
0x105: {  	v55 =	vld [tilespmem:s22+$0x51E0];
	p0 =	sgt.u32 s20, $0x3D  }
0x106: {  	v56 =	vld [tilespmem:s22+$0x51F0];
	s20 =	sadd.s32 @!p0 $0x2100, s21;
	s21 =	simm.s32 @!p0 $0x80;
	s22 =	simm.s32 @!p0 $0x4000  }
0x107: {  	[tilespmem:s22], [sflag:$0x1] =	stream.indirect.gather @!p0 [hbm4b:s3+s21], $0x40, s20, s21, $0xb8;
	[tilespmem:$0x8180] =	vst v63  }
0x108: {  	_ =	swait.ge [sflag:s13], $0x2000  }
0x109: {  	[sflag:s13] =	ssyncset.done $0x0  }
0x10a: {  	s20 =	simm.s32 $0x0;
	[sflag:s13] =	ssyncadd.s32 $0xFFFFE000  }
0x10b: {  	v25 =	vld [tilespmem:s20+$0x6180]  }
0x10c: {  	v26 =	vld [tilespmem:s20+$0x6190]  }
0x10d: {  	v27 =	vld [tilespmem:s20+$0x61A0]  }
0x10e: {  	v48 =	vmul.f32 v31, v48;
	v31 =	vld [tilespmem:s20+$0x61B0]  }
0x10f: {  	v37 =	vmul.f32 v37, v17;
	v38 =	vmul.f32 v38, v49;
	v17 =	vld [tilespmem:s20+$0x61C0]  }
0x110: {  	v21 =	vmul.f32 v29, v21;
	v63 =	vmul.f32 v39, v18;
	v18 =	vld [tilespmem:s20+$0x61D0]  }
0x111: {  	v22 =	vmul.f32 v30, v22;
	v57 =	vmul.f32 v34, v38;
	v34 =	vld [tilespmem:s20+$0x6100]  }
0x112: {  	v19 =	vmul.f32 v28, v19;
	v33 =	vmul.f32 v33, v37;
	v37 =	vld [tilespmem:s20+$0x6110]  }
0x113: {  	v15 =	vmul.f32 v24, v15;
	v48 =	vmul.f32 v32, v48;
	v38 =	vld [tilespmem:s20+$0x6120]  }
0x114: {  	v14 =	vmul.f32 v45, v14;
	v58 =	vmul.f32 v46, v42;
	v39 =	vld [tilespmem:s20+$0x6130]  }
0x115: {  	v23 =	vmul.f32 v23, v63;
	v40 =	vmul.f32 v47, v40;
	v32 =	vld [tilespmem:s20+$0x6140]  }
0x116: {  	v14 =	vmul.f32 v43, v14;
	v42 =	vmul.f32 v44, v58;
	v60 =	vld [tilespmem:s20+$0x6080]  }
0x117: {  	v41 =	vmul.f32 v50, v41;
	v40 =	vmul.f32 v51, v40;
	v61 =	vld [tilespmem:s20+$0x6090]  }
0x118: {  	v14 =	vmul.f32 v35, v14;
	v29 =	vld [tilespmem:s20+$0x6010];
	v59 =	vmul.f32 v36, v42  }
0x119: {  	v28 =	vld [tilespmem:s20+$0x6020];
	v41 =	vmul.f32 v52, v41;
	v40 =	vmul.f32 v53, v40  }
0x11a: {  	v21 =	vadd.f32 v22, v21;
	v22 =	vld [tilespmem:s20+$0x6030];
	v14 =	vmul.f32 v16, v14;
	v16 =	vmul.f32 v20, v59  }
0x11b: {  	v41 =	vmul.f32 v54, v41;
	v20 =	vld [tilespmem:s20+$0x6000];
	v30 =	vmul.f32 v55, v40  }
0x11c: {  	v63 =	vld [tilespmem:s20+$0x60A0];
	v14 =	vmul.f32 v14, v48;
	v16 =	vmul.f32 v16, v33  }
0x11d: {  	v19 =	vadd.f32 v19, v21;
	v35 =	vld [tilespmem:s20+$0x6150];
	v36 =	vimm.f32 $1.000000000e+00;
	v62 =	vmul.f32 v56, v41  }
0x11e: {  	v42 =	vimm.f32 $1.000000000e+00;
	v21 =	vmul.f32 v30, v57;
	v30 =	vld [tilespmem:s20+$0x60B0];
	v14 =	vadd.f32 v16, v14  }
0x11f: {  	v45 =	vld [tilespmem:s20+$0x60C0];
	v40 =	vimm.f32 $1.000000000e+00;
	v23 =	vmul.f32 v62, v23;
	v16 =	vimm.f32 $1.000000000e+00  }
0x120: {  	v46 =	vld [tilespmem:s20+$0x60D0];
	v20 =	vmul.f32 v20, v16;
	v24 =	vmul.f32 v29, v16;
	v21 =	vadd.f32 v21, v14  }
0x121: {  	v47 =	vld [tilespmem:s20+$0x6040];
	v28 =	vmul.f32 v28, v16;
	v22 =	vmul.f32 v22, v16;
	v14 =	vadd.f32 v15, v19  }
0x122: {  	v49 =	vld [tilespmem:s20+$0x6060];
	v19 =	vmul.f32 v60, v20;
	v15 =	vadd.f32 v23, v21;
	v21 =	vmul.f32 v61, v24  }
0x123: {  	s21 =	simm.s32 $0x800;
	v48 =	vld [tilespmem:s20+$0x6050];
	v41 =	vimm.f32 $1.000000000e+00;
	v23 =	vmul.f32 v63, v28;
	v24 =	vmul.f32 v30, v22  }
.LBB2_10:
0x124: {  	p0 =	sne.s32 s21, $0x3800;
	v20 =	vld [tilespmem:s20+$0x6070];
	v19 =	vmul.f32 v34, v19;
	v21 =	vmul.f32 v37, v21  }
0x125: {  	v22 =	vld [tilespmem:s20+$0x60E0];
	v23 =	vmul.f32 v38, v23;
	v24 =	vmul.f32 v39, v24  }
0x126: {  	v28 =	vld [tilespmem:s20+$0x60F0];
	v19 =	vmul.f32 v25, v19;
	v21 =	vmul.f32 v26, v21  }
0x127: {  	v29 =	vld [tilespmem:s20+$0x6160];
	v23 =	vmul.f32 v27, v23;
	v24 =	vmul.f32 v31, v24  }
0x128: {  	v25 =	vmul.f32 v47, v36;
	v26 =	vmul.f32 v48, v42;
	v30 =	vld [tilespmem:s20+$0x6170]  }
0x129: {  	v27 =	vmul.f32 v49, v40;
	v20 =	vmul.f32 v20, v41;
	v33 =	vld [tilespmem:s20+$0x61E0]  }
0x12a: {  	v31 =	vmul.f32 v45, v25;
	v34 =	vmul.f32 v46, v26;
	v37 =	vld [tilespmem:s20+$0x61F0];
	s20 =	sshra.s32 s21, $0x2  }
0x12b: {  	v22 =	vmul.f32 v22, v27;
	v25 =	vld [tilespmem:s20+$0x6180];
	v20 =	vmul.f32 v28, v20  }
0x12c: {  	v28 =	vmul.f32 v32, v31;
	v32 =	vmul.f32 v35, v34;
	v26 =	vld [tilespmem:s20+$0x6190]  }
0x12d: {  	v22 =	vmul.f32 v29, v22;
	v27 =	vld [tilespmem:s20+$0x61A0];
	v20 =	vmul.f32 v30, v20  }
0x12e: {  	v36 =	vmul.f32 v17, v28;
	v42 =	vmul.f32 v18, v32;
	v31 =	vld [tilespmem:s20+$0x61B0]  }
0x12f: {  	v40 =	vmul.f32 v33, v22;
	v17 =	vld [tilespmem:s20+$0x61C0];
	v41 =	vmul.f32 v37, v20  }
0x130: {  	v18 =	vld [tilespmem:s20+$0x61D0]  }
0x131: {  	v34 =	vld [tilespmem:s20+$0x6100]  }
0x132: {  	v37 =	vld [tilespmem:s20+$0x6110]  }
0x133: {  	v38 =	vld [tilespmem:s20+$0x6120]  }
0x134: {  	v39 =	vld [tilespmem:s20+$0x6130]  }
0x135: {  	v32 =	vld [tilespmem:s20+$0x6140]  }
0x136: {  	v35 =	vld [tilespmem:s20+$0x6150]  }
0x137: {  	v20 =	vld [tilespmem:s20+$0x6080]  }
0x138: {  	v22 =	vld [tilespmem:s20+$0x6090]  }
0x139: {  	v28 =	vld [tilespmem:s20+$0x6000]  }
0x13a: {  	v29 =	vld [tilespmem:s20+$0x6010]  }
0x13b: {  	v30 =	vld [tilespmem:s20+$0x6020]  }
0x13c: {  	v33 =	vld [tilespmem:s20+$0x6030]  }
0x13d: {  	v43 =	vld [tilespmem:s20+$0x60A0]  }
0x13e: {  	v44 =	vld [tilespmem:s20+$0x60B0]  }
.Ltmp3:
0x13f: {  	v45 =	vld [tilespmem:s20+$0x60C0];
	(pc) =	sbr.rel @p0 .LBB2_10-.Ltmp3, $4  }
0x140: {  	v19 =	vmul.f32 v28, v19;
	v21 =	vmul.f32 v29, v21;
	v46 =	vld [tilespmem:s20+$0x60D0]  }
0x141: {  	v23 =	vmul.f32 v30, v23;
	v24 =	vmul.f32 v33, v24;
	v47 =	vld [tilespmem:s20+$0x6040]  }
0x142: {  	v19 =	vmul.f32 v20, v19;
	v21 =	vmul.f32 v22, v21;
	v48 =	vld [tilespmem:s20+$0x6050]  }
0x143: {  	s21 =	sadd.s32 $0x800, s21;
	v23 =	vmul.f32 v43, v23;
	v49 =	vld [tilespmem:s20+$0x6060];
	v24 =	vmul.f32 v44, v24  }
0x144: {  	v50 =	vld [tilespmem:s20+$0x6070]  }
0x145: {  	v51 =	vld [tilespmem:s20+$0x60E0]  }
0x146: {  	v52 =	vld [tilespmem:s20+$0x60F0]  }
0x147: {  	v53 =	vld [tilespmem:s20+$0x6160]  }
0x148: {  	v54 =	vld [tilespmem:s20+$0x6170]  }
0x149: {  	v55 =	vld [tilespmem:s20+$0x61E0]  }
0x14a: {  	v56 =	vld [tilespmem:s20+$0x61F0];
	s20 =	simm.s32 $0x0  }
0x14b: {  	v29 =	vld [tilespmem:s20+$0x7180]  }
0x14c: {  	v30 =	vld [tilespmem:s20+$0x7190]  }
0x14d: {  	v33 =	vld [tilespmem:s20+$0x71A0]  }
0x14e: {  	v28 =	vld [tilespmem:s20+$0x71B0]  }
0x14f: {  	v20 =	vld [tilespmem:s20+$0x71C0]  }
0x150: {  	v22 =	vld [tilespmem:s20+$0x71D0]  }
0x151: {  	v43 =	vld [tilespmem:s20+$0x7100]  }
0x152: {  	v44 =	vld [tilespmem:s20+$0x7110]  }
0x153: {  	v21 =	vmul.f32 v37, v21;
	v37 =	vld [tilespmem:s20+$0x7120]  }
0x154: {  	v19 =	vmul.f32 v34, v19;
	v57 =	vmul.f32 v38, v23;
	v38 =	vld [tilespmem:s20+$0x7130]  }
0x155: {  	v39 =	vmul.f32 v39, v24;
	v34 =	vld [tilespmem:s20+$0x7140]  }
0x156: {  	v62 =	vld [tilespmem:s20+$0x7000];
	v23 =	vmul.f32 v25, v19;
	v24 =	vmul.f32 v26, v21  }
0x157: {  	v63 =	vld [tilespmem:s20+$0x7010];
	v25 =	vmul.f32 v47, v36;
	v21 =	vmul.f32 v27, v57  }
0x158: {  	v59 =	vld [tilespmem:s20+$0x70A0];
	v19 =	vmul.f32 v31, v39;
	v26 =	vmul.f32 v48, v42  }
0x159: {  	v31 =	vld [tilespmem:s20+$0x7080];
	v27 =	vmul.f32 v49, v40;
	v25 =	vmul.f32 v45, v25  }
0x15a: {  	v57 =	vld [tilespmem:s20+$0x7030];
	v61 =	vmul.f32 v50, v41;
	v26 =	vmul.f32 v46, v26  }
0x15b: {  	v42 =	vld [tilespmem:s20+$0x7090];
	v27 =	vmul.f32 v51, v27;
	v25 =	vmul.f32 v32, v25  }
0x15c: {  	v36 =	vmul.f32 v52, v61;
	v52 =	vld [tilespmem:s20+$0x7020];
	v26 =	vmul.f32 v35, v26  }
0x15d: {  	v60 =	vld [tilespmem:s20+$0x70B0];
	v61 =	vmul.f32 v62, v16;
	v62 =	vmul.f32 v63, v16  }
0x15e: {  	v39 =	vld [tilespmem:s20+$0x70D0];
	v27 =	vmul.f32 v53, v27;
	v25 =	vmul.f32 v17, v25  }
0x15f: {  	v40 =	vld [tilespmem:s20+$0x7040];
	v32 =	vmul.f32 v57, v16;
	v58 =	vmul.f32 v54, v36  }
0x160: {  	v41 =	vld [tilespmem:s20+$0x7050];
	v26 =	vmul.f32 v18, v26;
	v45 =	vmul.f32 v31, v61  }
0x161: {  	v35 =	vimm.f32 $1.000000000e+00;
	v36 =	vld [tilespmem:s20+$0x70C0];
	v46 =	vmul.f32 v42, v62;
	v63 =	vmul.f32 v52, v16  }
0x162: {  	v42 =	vld [tilespmem:s20+$0x7060];
	v31 =	vimm.f32 $1.000000000e+00;
	v18 =	vmul.f32 v55, v27;
	v48 =	vmul.f32 v60, v32  }
0x163: {  	s21 =	simm.s32 $0x800;
	v27 =	vld [tilespmem:s20+$0x7150];
	v32 =	vimm.f32 $1.000000000e+00;
	v17 =	vmul.f32 v56, v58;
	v47 =	vmul.f32 v59, v63  }
.LBB2_12:
0x164: {  	p0 =	sne.s32 s21, $0x3800;
	v49 =	vld [tilespmem:s20+$0x7070];
	v43 =	vmul.f32 v43, v45;
	v44 =	vmul.f32 v44, v46  }
0x165: {  	v45 =	vld [tilespmem:s20+$0x70E0];
	v37 =	vmul.f32 v37, v47;
	v38 =	vmul.f32 v38, v48  }
0x166: {  	v46 =	vld [tilespmem:s20+$0x70F0];
	v47 =	vmul.f32 v29, v43;
	v48 =	vmul.f32 v30, v44  }
0x167: {  	v43 =	vld [tilespmem:s20+$0x7160];
	v50 =	vmul.f32 v33, v37;
	v51 =	vmul.f32 v28, v38  }
0x168: {  	v16 =	vmul.f32 v40, v16;
	v28 =	vmul.f32 v41, v35;
	v35 =	vld [tilespmem:s20+$0x7170]  }
0x169: {  	v30 =	vmul.f32 v42, v31;
	v31 =	vmul.f32 v49, v32;
	v32 =	vld [tilespmem:s20+$0x71E0]  }
0x16a: {  	v16 =	vmul.f32 v36, v16;
	v28 =	vmul.f32 v39, v28;
	v36 =	vld [tilespmem:s20+$0x71F0];
	s20 =	sshra.s32 s21, $0x2  }
0x16b: {  	v37 =	vmul.f32 v45, v30;
	v29 =	vld [tilespmem:s20+$0x7180];
	v31 =	vmul.f32 v46, v31  }
0x16c: {  	v16 =	vmul.f32 v34, v16;
	v27 =	vmul.f32 v27, v28;
	v30 =	vld [tilespmem:s20+$0x7190]  }
0x16d: {  	v34 =	vmul.f32 v43, v37;
	v33 =	vld [tilespmem:s20+$0x71A0];
	v37 =	vmul.f32 v35, v31  }
0x16e: {  	v16 =	vmul.f32 v20, v16;
	v35 =	vmul.f32 v22, v27;
	v28 =	vld [tilespmem:s20+$0x71B0]  }
0x16f: {  	v31 =	vmul.f32 v32, v34;
	v20 =	vld [tilespmem:s20+$0x71C0];
	v32 =	vmul.f32 v36, v37  }
0x170: {  	v22 =	vld [tilespmem:s20+$0x71D0]  }
0x171: {  	v43 =	vld [tilespmem:s20+$0x7100]  }
0x172: {  	v44 =	vld [tilespmem:s20+$0x7110]  }
0x173: {  	v37 =	vld [tilespmem:s20+$0x7120]  }
0x174: {  	v38 =	vld [tilespmem:s20+$0x7130]  }
0x175: {  	v34 =	vld [tilespmem:s20+$0x7140]  }
0x176: {  	v27 =	vld [tilespmem:s20+$0x7150]  }
0x177: {  	v42 =	vld [tilespmem:s20+$0x7080]  }
0x178: {  	v46 =	vld [tilespmem:s20+$0x7090]  }
0x179: {  	v39 =	vld [tilespmem:s20+$0x7000]  }
0x17a: {  	v40 =	vld [tilespmem:s20+$0x7010]  }
0x17b: {  	v41 =	vld [tilespmem:s20+$0x7020]  }
0x17c: {  	v45 =	vld [tilespmem:s20+$0x7030]  }
0x17d: {  	v49 =	vld [tilespmem:s20+$0x70A0]  }
0x17e: {  	v52 =	vld [tilespmem:s20+$0x70B0]  }
.Ltmp4:
0x17f: {  	v36 =	vld [tilespmem:s20+$0x70C0];
	(pc) =	sbr.rel @p0 .LBB2_12-.Ltmp4, $4  }
0x180: {  	v47 =	vmul.f32 v39, v47;
	v48 =	vmul.f32 v40, v48;
	v39 =	vld [tilespmem:s20+$0x70D0]  }
0x181: {  	v50 =	vmul.f32 v41, v50;
	v51 =	vmul.f32 v45, v51;
	v40 =	vld [tilespmem:s20+$0x7040]  }
0x182: {  	v45 =	vmul.f32 v42, v47;
	v46 =	vmul.f32 v46, v48;
	v41 =	vld [tilespmem:s20+$0x7050]  }
0x183: {  	s21 =	sadd.s32 $0x800, s21;
	v47 =	vmul.f32 v49, v50;
	v42 =	vld [tilespmem:s20+$0x7060];
	v48 =	vmul.f32 v52, v51  }
0x184: {  	v43 =	vmul.f32 v43, v45;
	v44 =	vmul.f32 v44, v46  }
0x185: {  	v49 =	vld [tilespmem:s20+$0x7070];
	v23 =	vmul.f32 v25, v23;
	v24 =	vmul.f32 v26, v24  }
0x186: {  	v52 =	vld [tilespmem:s20+$0x70E0];
	v37 =	vmul.f32 v37, v47;
	v38 =	vmul.f32 v38, v48  }
0x187: {  	v53 =	vld [tilespmem:s20+$0x70F0];
	v29 =	vmul.f32 v29, v43;
	v30 =	vmul.f32 v30, v44  }
0x188: {  	v54 =	vld [tilespmem:s20+$0x7160];
	v16 =	vmul.f32 v40, v16;
	v35 =	vmul.f32 v41, v35  }
0x189: {  	v55 =	vld [tilespmem:s20+$0x7170];
	v33 =	vmul.f32 v33, v37;
	v31 =	vmul.f32 v42, v31  }
0x18a: {  	v56 =	vld [tilespmem:s20+$0x71E0];
	v16 =	vmul.f32 v36, v16;
	v35 =	vmul.f32 v39, v35  }
0x18b: {  	v32 =	vmul.f32 v49, v32;
	v31 =	vmul.f32 v52, v31  }
0x18c: {  	v16 =	vmul.f32 v34, v16;
	v27 =	vmul.f32 v27, v35  }
0x18d: {  	v57 =	vld [tilespmem:s20+$0x71F0];
	v32 =	vmul.f32 v53, v32;
	v31 =	vmul.f32 v54, v31  }
0x18e: {  	v16 =	vmul.f32 v20, v16;
	v58 =	vmul.f32 v22, v27  }
0x18f: {  	v32 =	vmul.f32 v55, v32;
	v59 =	vmul.f32 v56, v31  }
0x190: {  	v16 =	vmul.f32 v16, v29;
	v20 =	vmul.f32 v58, v30  }
0x191: {  	v18 =	vmul.f32 v18, v21;
	v23 =	vadd.f32 v24, v23;
	v60 =	vmul.f32 v28, v38  }
0x192: {  	s31 =	sshll.u32 s19, $0x6;
	s19 =	sadd.s32 $0x1, s19;
	v61 =	vmul.f32 v57, v32;
	v62 =	vmul.f32 v59, v33;
	v16 =	vadd.f32 v20, v16  }
0x193: {  	v17 =	vmul.f32 v17, v19;
	p0 =	sne.s32 s19, $0x4;
	v18 =	vadd.f32 v18, v23  }
.Ltmp5:
0x194: {  	s20 =	sand.u32 $0x3FFFFFC0, s31;
	v63 =	vmul.f32 v61, v60;
	v16 =	vadd.f32 v62, v16;
	(pc) =	sbr.rel @p0 .LBB2_5-.Ltmp5, $4  }
0x195: {  	[tilespmem:s20+$0x8000] =	vst v14;
	v17 =	vadd.f32 v17, v18  }
0x196: {  	[tilespmem:s20+$0x8010] =	vst v15;
	v14 =	vadd.f32 v63, v16  }
0x197: {  	[tilespmem:s20+$0x8020] =	vst v17  }
0x198: {  	[tilespmem:s20+$0x8030] =	vst v14  }
0x199: {  	_ =	sdelay $0x3  }
0x19a: {  	v14 =	vld.idx.msk [tilespmem:v1+s14+$0x0], $0xffff;
	_ =	sdelay $0x1  }
0x19b: {  	v15 =	vld.idx.msk [tilespmem:v5+s14+$0x0], $0xffff;
	_ =	sdelay $0x1  }
0x19c: {  	v16 =	vld.idx.msk [tilespmem:v6+s14+$0x0], $0xffff  }
0x19d: {  	v14 =	vadd.f32 $0.0e+00, v14  }
0x19e: {  	v17 =	vld.idx.msk [tilespmem:v7+s14+$0x0], $0xffff  }
0x19f: {  	v14 =	vadd.f32 v15, v14  }
0x1a0: {  	v15 =	vld.idx.msk [tilespmem:v8+s14+$0x0], $0xffff  }
0x1a1: {  	v14 =	vadd.f32 v16, v14  }
0x1a2: {  	v56 =	vld.idx.msk [tilespmem:v9+s14+$0x0], $0xffff  }
0x1a3: {  	v14 =	vadd.f32 v17, v14  }
0x1a4: {  	v57 =	vld.idx.msk [tilespmem:v10+s14+$0x0], $0xffff  }
0x1a5: {  	v14 =	vadd.f32 v15, v14  }
0x1a6: {  	v15 =	vld.idx.msk [tilespmem:v11+s14+$0x0], $0xffff  }
0x1a7: {  	v58 =	vor.u32 $0xA, v1;
	v14 =	vadd.f32 v56, v14  }
0x1a8: {  	v18 =	vld.idx.msk [tilespmem:v12+s14+$0x0], $0xffff  }
0x1a9: {  	v59 =	vor.u32 $0xB, v1;
	v14 =	vadd.f32 v57, v14  }
0x1aa: {  	v19 =	vld.idx.msk [tilespmem:v13+s14+$0x0], $0xffff  }
0x1ab: {  	v14 =	vadd.f32 v15, v14;
	v15 =	vor.u32 $0xC, v1  }
0x1ac: {  	v16 =	vld.idx.msk [tilespmem:v58+s14+$0x0], $0xffff  }
0x1ad: {  	v60 =	vor.u32 $0xD, v1;
	v14 =	vadd.f32 v18, v14  }
0x1ae: {  	v17 =	vld.idx.msk [tilespmem:v59+s14+$0x0], $0xffff  }
0x1af: {  	v61 =	vor.u32 $0xE, v1;
	v14 =	vadd.f32 v19, v14  }
0x1b0: {  	v15 =	vld.idx.msk [tilespmem:v15+s14+$0x0], $0xffff  }
0x1b1: {  	v62 =	vor.u32 $0xF, v1;
	v14 =	vadd.f32 v16, v14  }
0x1b2: {  	v18 =	vld.idx.msk [tilespmem:v60+s14+$0x0], $0xffff  }
0x1b3: {  	v14 =	vadd.f32 v17, v14  }
0x1b4: {  	v63 =	vld.idx.msk [tilespmem:v61+s14+$0x0], $0xffff  }
0x1b5: {  	v14 =	vadd.f32 v15, v14  }
0x1b6: {  	v15 =	vld.idx.msk [tilespmem:v62+s14+$0x0], $0xffff  }
0x1b7: {  	s18 =	sshll.u32 s17, $0x4;
	s17 =	sadd.s32 $0x1, s17;
	v14 =	vadd.f32 v18, v14  }
0x1b8: {  	p0 =	sne.s32 s17, $0x8  }
.Ltmp6:
0x1b9: {  	v14 =	vadd.f32 v63, v14;
	(pc) =	sbr.rel @p0 .LBB2_4-.Ltmp6, $4  }
0x1ba: {  	_ = 	snop  }
0x1bb: {  	v14 =	vadd.f32 v15, v14  }
0x1bc: {  	s18 =	sand.u32 $0x3FFFFFF0, s18  }
0x1bd: {  	[tilespmem:s18+$0x8100] =	vst v14  }
0x1be: {  	s16 =	sadd.s32 $0x1, s16  }
0x1bf: {  	p0 =	sne.s32 s16, s6  }
.Ltmp7:
0x1c0: {  	_ = 	snop;
	(pc) =	sbr.rel @p0 .LBB2_1-.Ltmp7, $4  }
0x1c1: {  	[hbm4b:s5+s2] =	stream.linear.scatter [tilespmem:s15], [sflag:$0x3], $0x80, $0x38;
	[tilespmem:$0x8180] =	vst v63  }
0x1c2: {  	_ =	swait.ge [sflag:s7], $0x80  }
0x1c3: {  	[sflag:s7] =	ssyncset.done $0x0  }
0x1c4: {  	[sflag:s7] =	ssyncadd.s32 $0xFFFFFF80  }
0x1c5: {  	_ =	sfence.sel $0x180000  }
0x1c6: {  	[bflag:$0x0] =	sbarrier.arrive $0xFFFF  }
0x1c7: {  	p0 =	sne.s32 s1, $0x0;
	_ =	strace $0x9000004A  }
0x1c8: {  	s0 =	sadd.s32 @!p0 $0x100000, s0;
	[bflag:$0x2] =	sbarrier.arrive $0xFFFF  }
0x1c9: {  	[sflag:s0] =	ssyncadd.tile.s32 @!p0 $0x1;
	_ =	shalt  }
.Lfunc_end2:
_tile_overlayer_lowered:
.L_overlay_start_2:
0x1ca: {  	(tag) =	ssettag $0x2  }
0x1cb: {  	s0 =	rddreg [dreg:$0x0];
	s2 =	stileid.u32  }
0x1cc: {  	s1 =	rddreg [dreg:$0x1];
	p0 =	sne.s32 s2, $0x0  }
0x1cd: {  	s3 =	rddreg [dreg:$0x2];
	[bflag:$0x3] =	sbarrier.arrive $0xFFFF;
	s2 =	simm.s32 @!p0 $0x1C03  }
0x1ce: {  	[timem:s3], [sflag:s2] =	dma.local @!p0 [hbm:s0], s1  }
0x1cf: {  	s0 =	simm.s32 @!p0 $0x3  }
0x1d0: {  	_ =	swait.ge @!p0 [sflag:s0], s1  }
0x1d1: {  	s1 =	ssub.s32 @!p0 $0x0, s1;
	[sflag:s0] =	ssyncset.done @!p0 $0x0  }
0x1d2: {  	[sflag:s0] =	ssyncadd.s32 @!p0 s1  }
0x1d3: {  	[bflag:$0x3] =	sbarrier.arrive $0xFFFF  }
0x1d4: {  	_ =	shalt  }

// kernel: sparse-core-data-format-call.cloned.1.call-start
scs
called_computation_lowered:
.L_overlay_start_0:
0x0: {  	s2 =	sld [smem:$0x3FD9]  }
0x1: {  	s3 =	sld [smem:$0x3FFE];
	_ =	sdelay $0x1  }
0x2: {  	s1 =	srdreg.scid  }
0x3: {  	s0 =	sand.u32 $0x1, s1  }
0x4: {  	s18 =	sshll.u32 s0, $0xA;
	s2 =	sadd.s32 s3, s2  }
0x5: {  	s2 =	sadd.s32 s2, s18  }
0x6: {  	[smem:$0x3FC6] =	sst s2  }
0x7: {  	_ = 	snop  }
0x8: {  	s2 =	sld [smem:$0x3FC9];
	(tm) =	ssettm $0x1  }
0x9: {  	s19 =	sld [smem:$0x3FFB];
	_ =	sdelay $0x3  }
0xa: {  	_ =	strace s19  }
0xb: {  	s3 =	sld [smem:$0x3FFC];
	_ =	sdelay $0x3  }
0xc: {  	_ =	strace s3  }
0xd: {  	s3 =	sld [smem:$0x3FFD];
	_ =	sdelay $0x3  }
0xe: {  	_ =	strace s3  }
0xf: {  	_ =	strace $0x8FFFFFFF  }
0x10: {  	s20 =	sld [smem:$0x3FDB];
	_ =	sdelay $0x1  }
0x11: {  	s4 =	simm.s32 $_scs_section_size  }
0x12: {  	s5 =	simm.s32 $_size__tile_overlayer_lowered;
	s6 =	simm.s32 $_tile_overlayer_lowered  }
0x13: {  	s23 =	simm.s32 $0x1BFF;
	s22 =	sshll.u32 s6, $0x1;
	s3 =	sadd.s32 s4, s20  }
0x14: {  	s7 =	simm.s32 $0x0;
	s21 =	sshll.u32 s5, $0x1;
	s5 =	sadd.s32 s22, s3  }
0x15: {  	[timem:s7], [sflag:s23] =	dma.local [hbm:s5], s21  }
0x16: {  	_ =	swait.ge [sflag:s23], s21  }
0x17: {  	s4 =	ssub.s32 $0x0, s21;
	[sflag:s23] =	ssyncset.done $0x0  }
0x18: {  	[sflag:s23] =	ssyncadd.s32 s4;
	_ =	sdelay $0x1  }
0x19: {  	s24 =	simm.s32 $0x1B8B  }
0x1a: {  	_ =	swait.ge [sflag:s24], $0x1  }
0x1b: {  	[sflag:s24] =	ssyncset.done $0x0  }
0x1c: {  	s26 =	simm.s32 $0x1B8E;
	s25 =	sld [smem:$0x3FFE];
	[sflag:s24] =	ssyncadd.s32 $0xFFFFFFFF  }
0x1d: {  	s27 =	simm.s32 $execute0_lowered;
	[smem:$0x3FD2] =	sst s26  }
0x1e: {  	s5 =	sshll.u32 s27, $0x1;
	_ =	strace $0x80000046;
	[dreg:$0x1] =	wrdreg $0xFFFFFFFF  }
0x1f: {  	s28 =	simm.s32 $_size_execute0_lowered;
	s3 =	sadd.s32 s3, s5;
	[dreg:$0x0] =	wrdreg $0x0  }
0x20: {  	s5 =	sshll.u32 s28, $0x1;
	[dreg:$0x2] =	wrdreg s3  }
0x21: {  	[dreg:$0x3] =	wrdreg s5  }
0x22: {  	[dreg:$0x4] =	wrdreg $0xC0  }
0x23: {  	_ =	task [dreg:s7], $0x5FFFF  }
0x24: {  	[dreg:$0x1] =	wrdreg $0xFFFFFFFF  }
0x25: {  	[dreg:$0x0] =	wrdreg $0x60  }
0x26: {  	[dreg:$0x2] =	wrdreg s2  }
0x27: {  	[dreg:$0x3] =	wrdreg s25  }
0x28: {  	[dreg:$0x4] =	wrdreg $0x9  }
0x29: {  	_ =	task.clear_ibuf [dreg:s7], $0x5FFFF;
	_ =	strace $0x90000046  }
0x2a: {  	s29 =	simm.s32 $0x9;
	_ =	strace $0x80000048  }
0x2b: {  	_ =	swait.ge [sflag:s29], $0x1  }
0x2c: {  	[sflag:s29] =	ssyncadd.s32 $0xFFFFFFFF  }
0x2d: {  	_ =	strace $0x90000048  }
0x2e: {  	_ =	sfence  }
0x2f: {  	s30 =	sld [smem:$0x0];
	_ =	sdelay $0x2  }
0x30: {  	s31 =	sshll.u32 s1, $0xD;
	s1 =	sshrl.u32 s1, $0x2  }
0x31: {  	s3 =	sand.u32 $0x4000, s31;
	s1 =	sadd.s32 s1, s30  }
0x32: {  	s0 =	sor.u32 s3, s0;
	s1 =	sshll.u32 s1, $0x11  }
0x33: {  	s0 =	sor.u32 s1, s0  }
0x34: {  	s0 =	sadd.s32 $0x8F2B, s0  }
0x35: {  	[sflag:s0] =	ssyncadd.remote.s32 $0x1  }
0x36: {  	_ =	sfence.sel $0xFFFF  }
0x37: {  	[dreg:$0x0] =	wrdreg $0xFFFFFFFF;
	(pc) =	sbr.abs _section_cstart, $3  }
0x38: {  	[dreg:$0x1] =	wrdreg $0xFFFFFFFF  }
0x39: {  	_ =	task.clear_ibuf [dreg:s7], $0x2FFFF;
	_ =	strace $0x9FFFFFFF  }
0x3a: {  	(tm) =	ssettm $0x7FFFFFFF  }
0x3b: {  	_ =	shalt  }
tec
execute0_lowered:
.L_overlay_start_1:
0x0: {  	(tag) =	ssettag $0x1  }
0x1: {  	s2 =	rddreg [dreg:$0x0]  }
0x2: {  	s0 =	srdreg.scid;
	s6 =	rddreg [dreg:$0x1]  }
0x3: {  	s7 =	simm.s32 $0x2;
	s15 =	simm.s32 $0x0;
	p0 =	por $0x0, $0x0  }
0x4: {  	s9 =	simm.s32 $0x40;
	s10 =	simm.s32 $0x29400;
	s1 =	sshll.u32 s0, $0x4  }
0x5: {  	s16 =	simm.s32 $0x0;
	s0 =	stileid.u32;
	s1 =	sand.u32 $0x10, s1  }
0x6: {  	s17 =	simm.s32 $0x0;
	s11 =	simm.s32 $0x0;
	s3 =	sor.u32 s0, s1  }
.Ltmp0:
0x7: {  	s13 =	simm.s32 $0x0;
	s4 =	ssub.s32 $0x40, s3;
	(pc) =	sbr.rel .LBB1_1-.Ltmp0, $4  }
0x8: {  	s14 =	simm.s32 $0x0;
	s1 =	rddreg [dreg:$0x2];
	s5 =	sshrl.u32 s4, $0x5  }
0x9: {  	_ =	strace $0x80000047;
	s4 =	simm.s32 $0x1;
	s5 =	smul.u32 $0x21, s5  }
0xa: {  	s6 =	sadd.s32 $0xA00, s6;
	s12 =	smov.u32 s3;
	[sflag:s4] =	ssyncpa.u1 $0x0  }
0xb: {  	[sflag:s7] =	ssyncpa.u1 $0x0;
	s7 =	sadd.s32 $0x110400, s2;
	s8 =	sadd.s32 $0x1, s5  }
.LBB1_7:
0xc: {  	s18 =	sadd.s32 $0x1, s11  }
0xd: {  	s15 =	sadd.s32 $0x20, s12;
	s19 =	smov.u32 s12;
	p2 =	sgt.s32 s18, $0x20  }
0xe: {  	s19 =	smov.u32 @p2 s15  }
0xf: {  	s21 =	smov.u32 s13;
	s15 =	sadd.s32 $0x2, s13;
	p3 =	sgt.s32 s19, $0x20  }
0x10: {  	s21 =	smov.u32 @p3 s15  }
0x11: {  	s18 =	simm.s32 @p2 $0x0;
	p2 =	sgt.s32 s21, $0x1  }
0x12: {  	p1 =	slt.u32 s14, $0x2;
	s21 =	simm.s32 @p2 $0x0;
	p2 =	sne.s32 s14, s8  }
.Ltmp1:
0x13: {  	s20 =	simm.s32 @!p1 $0x2;
	(pc) =	sbr.rel @!p2 .LBB1_8-.Ltmp1, $4  }
0x14: {  	s16 =	smov.u32 s12;
	s17 =	smov.u32 s13;
	_ =	swait.ge @!p1 [sflag:s20], $0x2000  }
0x15: {  	p0 =	por !p0, !p0;
	[sflag:s20] =	ssyncset.done @!p1 $0x0;
	s19 =	smov.u32 @p3 s3  }
0x16: {  	s15 =	smov.u32 s11;
	[sflag:s20] =	ssyncadd.s32 @!p1 $0xFFFFE000;
	s11 =	smov.u32 s18  }
0x17: {  	s12 =	smov.u32 s19;
	s14 =	sadd.s32 $0x1, s14;
	s13 =	smov.u32 s21  }
.LBB1_1:
0x18: {  	p1 =	sge.u32 s14, s5  }
0x19: {  	s18 =	smul.u32 @!p1 $0x110400, s13  }
0x1a: {  	s19 =	sxor.u32 @!p1 $0xFFFFFFFF, s14;
	s20 =	smul.u32 @!p1 $0x8400, s12;
	s22 =	sshll.u32 @!p1 s11, $0xA  }
0x1b: {  	s23 =	simm.s32 @!p1 $0x40;
	s24 =	simm.s32 @!p1 $0x80;
	s21 =	sadd.s32 @!p1 s2, s18  }
0x1c: {  	s19 =	sshll.u32 @!p1 s19, $0xD;
	s18 =	sadd.s32 @!p1 s18, s7;
	s21 =	sadd.s32 @!p1 s20, s21  }
0x1d: {  	s19 =	sand.u32 @!p1 $0x2000, s19;
	s18 =	sadd.s32 @!p1 s20, s18;
	s21 =	sadd.s32 @!p1 s22, s21  }
0x1e: {  	[tilespmem:s19], [sflag:$0x1] =	stream.strided.gather @!p1 [hbm4b:s21+s23], $0x1000, s24, s23, $0x38;
	[tilespmem:$0x8100] =	vst v63  }
0x1f: {  	s31 =	sadd.s32 $0xFFFFFFFF, s14;
	s18 =	sadd.s32 @!p1 s22, s18;
	s19 =	sor.u32 @!p1 $0x1000, s19  }
0x20: {  	[tilespmem:s19], [sflag:$0x1] =	stream.strided.gather @!p1 [hbm4b:s18+s23], $0x1000, s24, s23, $0x38;
	[tilespmem:$0x8100] =	vst v63  }
0x21: {  	p1 =	sge.u32 s31, s5  }
.Ltmp2:
0x22: {  	_ = 	snop;
	(pc) =	sbr.rel @p1 .LBB1_7-.Ltmp2, $1  }
0x23: {  	_ =	sdelay $0x3  }
0x24: {  	s18 =	simm.s32 $0x1;
	s20 =	sand.u32 $0x1, s14  }
0x25: {  	_ =	swait.ge [sflag:s4], $0x2000;
	s18 =	simm.s32 @!p0 $0x0;
	s20 =	smul.u32 $0x8200, s20  }
0x26: {  	p2 =	por $0x1, $0x1;
	[sflag:s4] =	ssyncset.done $0x0;
	s19 =	smul.u32 $0x8200, s18  }
0x27: {  	s21 =	sshll.u32 s18, $0xF;
	[sflag:s4] =	ssyncadd.s32 $0xFFFFE000;
	s30 =	sshrl.u32 s20, $0x2  }
0x28: {  	s31 =	sshrl.u32 s21, $0x2;
	s21 =	simm.s32 $0x0;
	s19 =	sshrl.u32 s19, $0x2  }
0x29: {  	s18 =	sor.u32 $0x4000, s30;
	s20 =	sadd.s32 $0x20, s31;
	s19 =	sor.u32 $0x4000, s19  }
.LBB1_3:
0x2a: {  	s22 =	sshll.u32 s21, $0xC  }
0x2b: {  	s22 =	sand.u32 $0x3FFFF000, s22  }
0x2c: {  	s24 =	sadd.s32 s22, s20  }
0x2d: {  	s31 =	smul.u32 $0x4100, s21;
	v3 =	vld [tilespmem:s24+$0x10]  }
0x2e: {  	v1 =	vld [tilespmem:s24+$0xFFFFFFF0]  }
0x2f: {  	s21 =	sshra.s32 s31, $0x2;
	v0 =	vld [tilespmem:s24+$0x0]  }
0x30: {  	s21 =	sadd.s32 s21, s19;
	v2 =	vld [tilespmem:s24+$0xFFFFFFE0]  }
0x31: {  	s22 =	sadd.s32 $0x0, s21  }
0x32: {  	p1 =	por p2, p2;
	s23 =	simm.s32 $0x4;
	s24 =	sadd.s32 $0x40, s24;
	[tilespmem:s22+$0xC30 ss:$0x41] =	vst.msk $0xffff, v3  }
.LBB1_4:
0x33: {  	v3 =	vld [tilespmem:s24+$0x10];
	p2 =	sne.s32 s23, $0xFC;
	[tilespmem:s22+$0x410 ss:$0x41] =	vst.msk $0xffff, v1;
	s25 =	smov.u32 s23;
	s23 =	sadd.s32 $0x4, s23  }
.Ltmp3:
0x34: {  	v1 =	vld [tilespmem:s24+$0xFFFFFFF0];
	[tilespmem:s22+$0x820 ss:$0x41] =	vst.msk $0xffff, v0;
	(pc) =	sbr.rel @p2 .LBB1_4-.Ltmp3, $4  }
0x35: {  	v0 =	vld [tilespmem:s24+$0x0];
	[tilespmem:s22+$0x0 ss:$0x41] =	vst.msk $0xffff, v2  }
0x36: {  	s22 =	sshra.s32 s25, $0x2;
	v2 =	vld [tilespmem:s24+$0xFFFFFFE0]  }
0x37: {  	s22 =	sadd.s32 s22, s21  }
0x38: {  	s24 =	sadd.s32 $0x40, s24;
	[tilespmem:s22+$0xC30 ss:$0x41] =	vst.msk $0xffff, v3  }
.Ltmp4:
0x39: {  	(pc) =	sbr.rel @p1 .LBB1_3-.Ltmp4, $4  }
0x3a: {  	_ = 	snop  }
0x3b: {  	[tilespmem:s22+$0x410 ss:$0x41] =	vst.msk $0xffff, v1  }
0x3c: {  	[tilespmem:s22+$0x820 ss:$0x41] =	vst.msk $0xffff, v0  }
0x3d: {  	s21 =	simm.s32 $0x1;
	p2 =	por $0x0, $0x0;
	[tilespmem:s22+$0x0 ss:$0x41] =	vst.msk $0xffff, v2  }
0x3e: {  	s15 =	sand.u32 $0x1FFFFFF, s15;
	s17 =	smul.u32 $0x14A000, s17  }
0x3f: {  	s19 =	smulhi.u32 $0x6666667, s15  }
0x40: {  	s16 =	smul.u32 $0x280, s16  }
0x41: {  	s19 =	smul.u32 $0x28, s19  }
.Ltmp5:
0x42: {  	_ = 	snop;
	(pc) =	sbr.rel .LBB1_7-.Ltmp5, $4  }
0x43: {  	s17 =	sadd.s32 s6, s17;
	s15 =	ssub.s32 s15, s19  }
0x44: {  	s16 =	sadd.s32 s16, s17;
	s15 =	sshll.u32 s15, $0x4  }
0x45: {  	s15 =	sadd.s32 s15, s16  }
0x46: {  	[hbm4b:s15+s9] =	stream.strided.scatter [tilespmem:s18], [sflag:$0x2], $0x2000, s10, s9, $0x18;
	[tilespmem:$0x8100] =	vst v63  }
.LBB1_8:
0x47: {  	_ =	sfence.sel $0x180000  }
0x48: {  	s2 =	simm.s32 $0x1;
	[bflag:$0x0] =	sbarrier.arrive $0xFFFF  }
0x49: {  	s31 =	simm.s32 $0x2;
	[sflag:s2] =	ssyncpa.u1 $0x1  }
0x4a: {  	[sflag:s31] =	ssyncpa.u1 $0x1  }
0x4b: {  	p0 =	sne.s32 s0, $0x0;
	_ =	strace $0x90000047  }
0x4c: {  	s0 =	sadd.s32 @!p0 $0x100000, s1;
	[bflag:$0x2] =	sbarrier.arrive $0xFFFF  }
0x4d: {  	[sflag:s0] =	ssyncadd.tile.s32 @!p0 $0x1;
	_ =	shalt  }
.Lfunc_end1:
_tile_overlayer_lowered:
.L_overlay_start_2:
0x4e: {  	(tag) =	ssettag $0x2  }
0x4f: {  	s0 =	rddreg [dreg:$0x0];
	s2 =	stileid.u32  }
0x50: {  	s1 =	rddreg [dreg:$0x1];
	p0 =	sne.s32 s2, $0x0  }
0x51: {  	s3 =	rddreg [dreg:$0x2];
	[bflag:$0x3] =	sbarrier.arrive $0xFFFF;
	s2 =	simm.s32 @!p0 $0x1C01  }
0x52: {  	[timem:s3], [sflag:s2] =	dma.local @!p0 [hbm:s0], s1  }
0x53: {  	s0 =	simm.s32 @!p0 $0x1  }
0x54: {  	_ =	swait.ge @!p0 [sflag:s0], s1  }
0x55: {  	s1 =	ssub.s32 @!p0 $0x0, s1;
	[sflag:s0] =	ssyncset.done @!p0 $0x0  }
0x56: {  	[sflag:s0] =	ssyncadd.s32 @!p0 s1  }
0x57: {  	[bflag:$0x3] =	sbarrier.arrive $0xFFFF  }
0x58: {  	_ =	shalt  }

</sc_bundles>
